<compile_context>
chip_gen: v7x
topology: tpu7x:2x2x1
jax: 0.10.2.dev20260603
libtpu: 0.0.44.dev20260713+nightly
codegen_flags: <defaults>
</compile_context>

<pallas_src>
import functools

import jax
import jax.numpy as jnp
from jax import lax
from jax.experimental import pallas as pl
from jax.experimental.pallas import tpu as pltpu
from jax.experimental.pallas import tpu_sc as plsc

B = 16384
L = 50
D = 64
OUT = 64

NC = 2
NS = 16
NW = NC * NS
BAGS_PER_W = B // NW
CH = 8
NCHUNK = BAGS_PER_W // CH
NPAIR = NCHUNK // 2
NVEC = D // 16


def _sc_pool_kernel(x_hbm, table_hbm, out_hbm, idx_v, rows_v, pooled_v,
                    sem0, sem1):
    wid = lax.axis_index("s") * NC + lax.axis_index("c")
    bag0 = pl.multiple_of(wid * BAGS_PER_W, BAGS_PER_W)

    pltpu.sync_copy(x_hbm.at[pl.ds(bag0, BAGS_PER_W)], idx_v)

    def gather(c, buf, sem):
        for j in range(CH):
            pltpu.async_copy(
                table_hbm.at[idx_v.at[c * CH + j]],
                rows_v.at[buf, j],
                sem,
            )

    def drain(c, buf, sem):
        for j in range(CH):
            pltpu.make_async_copy(
                table_hbm.at[idx_v.at[c * CH + j]],
                rows_v.at[buf, j],
                sem,
            ).wait()

    def pool(c, buf):
        def bag_body(j, carry2):
            def l_body(l, acc):
                return tuple(
                    acc[k] + rows_v[buf, j, l, pl.ds(16 * k, 16)]
                    for k in range(NVEC)
                )

            acc = lax.fori_loop(
                0, L, l_body,
                tuple(jnp.zeros((16,), jnp.float32) for _ in range(NVEC)),
            )
            for k in range(NVEC):
                pooled_v[c * CH + j, pl.ds(16 * k, 16)] = acc[k] * (1.0 / L)
            return carry2

        lax.fori_loop(0, CH, bag_body, 0)

    gather(0, 0, sem0)

    def pair_body(t, carry):
        c0 = t * 2
        c1 = c0 + 1
        gather(c1, 1, sem1)
        drain(c0, 0, sem0)
        pool(c0, 0)

        @pl.when(t < NPAIR - 1)
        def _():
            gather(c0 + 2, 0, sem0)

        drain(c1, 1, sem1)
        pool(c1, 1)
        return carry

    lax.fori_loop(0, NPAIR, pair_body, 0)
    pltpu.sync_copy(pooled_v, out_hbm.at[pl.ds(bag0, BAGS_PER_W)])


_sc_pool = functools.partial(
    pl.kernel,
    mesh=plsc.VectorSubcoreMesh(core_axis_name="c", subcore_axis_name="s"),
    out_type=jax.ShapeDtypeStruct((B, D), jnp.float32),
    scratch_types=[
        pltpu.VMEM((BAGS_PER_W, L), jnp.int32),
        pltpu.VMEM((2, CH, L, D), jnp.float32),
        pltpu.VMEM((BAGS_PER_W, D), jnp.float32),
        pltpu.SemaphoreType.DMA,
        pltpu.SemaphoreType.DMA,
    ],
    compiler_params=pltpu.CompilerParams(use_tc_tiling_on_sc=False),
)(_sc_pool_kernel)


BLK = 512


def _tc_head_kernel(p_ref, wt_ref, b_ref, o_ref):
    y = jnp.dot(p_ref[...], wt_ref[...], preferred_element_type=jnp.float32)
    y = y + b_ref[...]
    y = y - jnp.max(y, axis=1, keepdims=True)
    e = jnp.exp(y)
    o_ref[...] = e / jnp.sum(e, axis=1, keepdims=True)


def _tc_head(pooled, wt, b2):
    return pl.pallas_call(
        _tc_head_kernel,
        grid=(B // BLK,),
        in_specs=[
            pl.BlockSpec((BLK, D), lambda i: (i, 0)),
            pl.BlockSpec((D, OUT), lambda i: (0, 0)),
            pl.BlockSpec((1, OUT), lambda i: (0, 0)),
        ],
        out_specs=pl.BlockSpec((BLK, OUT), lambda i: (i, 0)),
        out_shape=jax.ShapeDtypeStruct((B, OUT), jnp.float32),
    )(pooled, wt, b2)


def kernel(x, emb_table, W, b):
    pooled = _sc_pool(x.astype(jnp.int32), emb_table)
    return _tc_head(pooled, W.T, b.reshape(1, OUT))

# --- scband reference (transcript-rebuilt; emitter-appended) ---
"""Pipeline reference for scband-dummy-model-9337258901987 (READ-ONLY COPY).

The authoritative reference and input builder live on the scoring server;
editing this copy changes nothing except your own understanding.
"""

import jax, jax.numpy as jnp
import numpy as np

B = 16384
L = 50
VOCAB = 1000000
D = 64
OUT = 64

def setup_inputs(seed: int = 0) -> dict:
    key = jax.random.key(seed)
    k1, k2, k3, k4 = jax.random.split(key, 4)
    x = jax.random.randint(k1, (B, L), 0, VOCAB, dtype=jnp.int64 if jax.config.jax_enable_x64 else jnp.int32)
    emb_table = jax.random.normal(k2, (VOCAB, D), dtype=jnp.float32)
    # nn.Linear init: uniform(-1/sqrt(fan_in), 1/sqrt(fan_in))
    bound = 1.0 / np.sqrt(D)
    W = jax.random.uniform(k3, (OUT, D), minval=-bound, maxval=bound, dtype=jnp.float32)
    b = jax.random.uniform(k4, (OUT,), minval=-bound, maxval=bound, dtype=jnp.float32)
    return {"x": x, "emb_table": emb_table, "W": W, "b": b}

def reference(x, emb_table, W, b):
    # nn.EmbeddingBag with 2D input and default mode='mean':
    # gather rows then mean-pool over the bag (sequence) dimension.
    e = jnp.take(emb_table, x, axis=0)          # [B, L, D]
    pooled = jnp.mean(e, axis=1)                # [B, D]
    y = pooled @ W.T + b                        # [B, OUT]
    return jax.nn.softmax(y, axis=1)

if __name__ == "__main__":
    import jax
    _d = setup_inputs()
    print(jax.jit(kernel)(*tuple(_d.values())))

</pallas_src>

<mosaic_0001>
#map = affine_map<(d0, d1) -> (0, 0)>
module attributes {stable_mosaic.version = 14 : i64} {
  func.func @_sc_pool_kernel(%arg0: i32, %arg1: i32, %arg2: memref<16384x50xi32, #tpu.memory_space<hbm>>, %arg3: memref<1000000x64xf32, #tpu.memory_space<hbm>>, %arg4: memref<16384x64xf32, #tpu.memory_space<hbm>>, %arg5: memref<512x50xi32, #tpu.memory_space<vmem>>, %arg6: memref<2x8x50x64xf32, #tpu.memory_space<vmem>>, %arg7: memref<512x64xf32, #tpu.memory_space<vmem>>, %arg8: memref<!tpu.dma_semaphore, #tpu.memory_space<semaphore_mem>>, %arg9: memref<!tpu.dma_semaphore, #tpu.memory_space<semaphore_mem>>) attributes {dimension_semantics = [#tpu.dimension_semantics<core_parallel>, #tpu.dimension_semantics<subcore_parallel>], iteration_bounds = array<i64: 2, 16>, scalar_prefetch = 0 : i64, scratch_operands = 5 : i64, tpu.core_type = #tpu.core_type<sc_vector_subcore>, window_params = [{transform_indices = #map}, {transform_indices = #map}, {transform_indices = #map}]} {
    %mul3A = arith.constant 2 : i32
    %mul3A_0 = arith.muli %arg1, %mul3A : i32
    %add3A = arith.addi %mul3A_0, %arg0 : i32
    %mul3A_1 = arith.constant 512 : i32
    %mul3A_2 = arith.muli %add3A, %mul3A_1 : i32
    %multiple_of3A = tpu.assume_multiple %mul3A_2, 512 : i32
    "tpu.region"() ({
      %run_scoped3A = tpu.sem_alloc : memref<!tpu.dma_semaphore, #tpu.memory_space<semaphore_mem>>
      %dma_start3A_111 = arith.constant 0 : i32
      %dma_start3A_112 = tpu.memref_slice %arg2[%multiple_of3A, %dma_start3A_111] : memref<16384x50xi32, #tpu.memory_space<hbm>> -> memref<512x50xi32, #tpu.memory_space<hbm>>
      %dma_start3A_113 = arith.constant 0 : i32
      %dma_start3A_114 = tpu.memref_slice %arg2[%multiple_of3A, %dma_start3A_113] : memref<16384x50xi32, #tpu.memory_space<hbm>> -> memref<512x50xi32, #tpu.memory_space<hbm>>
      tpu.enqueue_dma source(%dma_start3A_114 : memref<512x50xi32, #tpu.memory_space<hbm>>) target(%arg5 : memref<512x50xi32, #tpu.memory_space<vmem>>) target_semaphore(%run_scoped3A : memref<!tpu.dma_semaphore, #tpu.memory_space<semaphore_mem>>)
      %dma_wait3A = arith.constant 0 : i32
      %dma_wait3A_115 = tpu.memref_slice %arg2[%multiple_of3A, %dma_wait3A] : memref<16384x50xi32, #tpu.memory_space<hbm>> -> memref<512x50xi32, #tpu.memory_space<hbm>>
      %dma_wait3A_116 = arith.constant 0 : i32
      %dma_wait3A_117 = tpu.memref_slice %arg2[%multiple_of3A, %dma_wait3A_116] : memref<16384x50xi32, #tpu.memory_space<hbm>> -> memref<512x50xi32, #tpu.memory_space<hbm>>
      tpu.wait_dma2 semaphore(%run_scoped3A : memref<!tpu.dma_semaphore, #tpu.memory_space<semaphore_mem>>) src(%dma_wait3A_117 : memref<512x50xi32, #tpu.memory_space<hbm>>) dst(%arg5 : memref<512x50xi32, #tpu.memory_space<vmem>>)
      tpu.yield
    }) : () -> ()
    %dma_start3A = arith.constant 0 : i32
    %dma_start3A_3 = arith.constant 0 : i32
    %dma_start3A_4 = arith.constant 0 : i32
    %dma_start3A_5 = arith.constant 0 : i32
    %dma_start3A_6 = arith.constant 0 : i32
    %dma_start3A_7 = tpu.memref_slice %arg6[%dma_start3A_3, %dma_start3A_4, %dma_start3A_5, %dma_start3A_6] : memref<2x8x50x64xf32, #tpu.memory_space<vmem>> -> memref<1x1x50x64xf32, #tpu.memory_space<vmem>>
    %dma_start3A_8 = tpu.memref_squeeze %dma_start3A_7 : memref<1x1x50x64xf32, #tpu.memory_space<vmem>> -> memref<50x64xf32, #tpu.memory_space<vmem>>
    %dma_start3A_9 = arith.constant 0 : i32
    %dma_start3A_10 = tpu.memref_slice %arg5[%dma_start3A, %dma_start3A_9] : memref<512x50xi32, #tpu.memory_space<vmem>> -> memref<1x50xi32, #tpu.memory_space<vmem>>
    %dma_start3A_11 = tpu.memref_squeeze %dma_start3A_10 : memref<1x50xi32, #tpu.memory_space<vmem>> -> memref<50xi32, #tpu.memory_space<vmem>>
    %dma_start3A_12 = arith.constant 0 : i32
    %dma_start3A_13 = arith.constant 0 : i32
    %dma_start3A_14 = tpu.memref_slice %arg3[%dma_start3A_12, %dma_start3A_13] : memref<1000000x64xf32, #tpu.memory_space<hbm>> -> memref<1000000x64xf32, #tpu.memory_space<hbm>>
    tpu.enqueue_indirect_dma source(%dma_start3A_14 : memref<1000000x64xf32, #tpu.memory_space<hbm>>) target(%dma_start3A_8 : memref<50x64xf32, #tpu.memory_space<vmem>>) offsets(%dma_start3A_11 : memref<50xi32, #tpu.memory_space<vmem>>) semaphore(%arg8 : memref<!tpu.dma_semaphore, #tpu.memory_space<semaphore_mem>>)
    %dma_start3A_15 = arith.constant 1 : i32
    %dma_start3A_16 = arith.constant 0 : i32
    %dma_start3A_17 = arith.constant 1 : i32
    %dma_start3A_18 = arith.constant 0 : i32
    %dma_start3A_19 = arith.constant 0 : i32
    %dma_start3A_20 = tpu.memref_slice %arg6[%dma_start3A_16, %dma_start3A_17, %dma_start3A_18, %dma_start3A_19] : memref<2x8x50x64xf32, #tpu.memory_space<vmem>> -> memref<1x1x50x64xf32, #tpu.memory_space<vmem>>
    %dma_start3A_21 = tpu.memref_squeeze %dma_start3A_20 : memref<1x1x50x64xf32, #tpu.memory_space<vmem>> -> memref<50x64xf32, #tpu.memory_space<vmem>>
    %dma_start3A_22 = arith.constant 0 : i32
    %dma_start3A_23 = tpu.memref_slice %arg5[%dma_start3A_15, %dma_start3A_22] : memref<512x50xi32, #tpu.memory_space<vmem>> -> memref<1x50xi32, #tpu.memory_space<vmem>>
    %dma_start3A_24 = tpu.memref_squeeze %dma_start3A_23 : memref<1x50xi32, #tpu.memory_space<vmem>> -> memref<50xi32, #tpu.memory_space<vmem>>
    %dma_start3A_25 = arith.constant 0 : i32
    %dma_start3A_26 = arith.constant 0 : i32
    %dma_start3A_27 = tpu.memref_slice %arg3[%dma_start3A_25, %dma_start3A_26] : memref<1000000x64xf32, #tpu.memory_space<hbm>> -> memref<1000000x64xf32, #tpu.memory_space<hbm>>
    tpu.enqueue_indirect_dma source(%dma_start3A_27 : memref<1000000x64xf32, #tpu.memory_space<hbm>>) target(%dma_start3A_21 : memref<50x64xf32, #tpu.memory_space<vmem>>) offsets(%dma_start3A_24 : memref<50xi32, #tpu.memory_space<vmem>>) semaphore(%arg8 : memref<!tpu.dma_semaphore, #tpu.memory_space<semaphore_mem>>)
    %dma_start3A_28 = arith.constant 2 : i32
    %dma_start3A_29 = arith.constant 0 : i32
    %dma_start3A_30 = arith.constant 2 : i32
    %dma_start3A_31 = arith.constant 0 : i32
    %dma_start3A_32 = arith.constant 0 : i32
    %dma_start3A_33 = tpu.memref_slice %arg6[%dma_start3A_29, %dma_start3A_30, %dma_start3A_31, %dma_start3A_32] : memref<2x8x50x64xf32, #tpu.memory_space<vmem>> -> memref<1x1x50x64xf32, #tpu.memory_space<vmem>>
    %dma_start3A_34 = tpu.memref_squeeze %dma_start3A_33 : memref<1x1x50x64xf32, #tpu.memory_space<vmem>> -> memref<50x64xf32, #tpu.memory_space<vmem>>
    %dma_start3A_35 = arith.constant 0 : i32
    %dma_start3A_36 = tpu.memref_slice %arg5[%dma_start3A_28, %dma_start3A_35] : memref<512x50xi32, #tpu.memory_space<vmem>> -> memref<1x50xi32, #tpu.memory_space<vmem>>
    %dma_start3A_37 = tpu.memref_squeeze %dma_start3A_36 : memref<1x50xi32, #tpu.memory_space<vmem>> -> memref<50xi32, #tpu.memory_space<vmem>>
    %dma_start3A_38 = arith.constant 0 : i32
    %dma_start3A_39 = arith.constant 0 : i32
    %dma_start3A_40 = tpu.memref_slice %arg3[%dma_start3A_38, %dma_start3A_39] : memref<1000000x64xf32, #tpu.memory_space<hbm>> -> memref<1000000x64xf32, #tpu.memory_space<hbm>>
    tpu.enqueue_indirect_dma source(%dma_start3A_40 : memref<1000000x64xf32, #tpu.memory_space<hbm>>) target(%dma_start3A_34 : memref<50x64xf32, #tpu.memory_space<vmem>>) offsets(%dma_start3A_37 : memref<50xi32, #tpu.memory_space<vmem>>) semaphore(%arg8 : memref<!tpu.dma_semaphore, #tpu.memory_space<semaphore_mem>>)
    %dma_start3A_41 = arith.constant 3 : i32
    %dma_start3A_42 = arith.constant 0 : i32
    %dma_start3A_43 = arith.constant 3 : i32
    %dma_start3A_44 = arith.constant 0 : i32
    %dma_start3A_45 = arith.constant 0 : i32
    %dma_start3A_46 = tpu.memref_slice %arg6[%dma_start3A_42, %dma_start3A_43, %dma_start3A_44, %dma_start3A_45] : memref<2x8x50x64xf32, #tpu.memory_space<vmem>> -> memref<1x1x50x64xf32, #tpu.memory_space<vmem>>
    %dma_start3A_47 = tpu.memref_squeeze %dma_start3A_46 : memref<1x1x50x64xf32, #tpu.memory_space<vmem>> -> memref<50x64xf32, #tpu.memory_space<vmem>>
    %dma_start3A_48 = arith.constant 0 : i32
    %dma_start3A_49 = tpu.memref_slice %arg5[%dma_start3A_41, %dma_start3A_48] : memref<512x50xi32, #tpu.memory_space<vmem>> -> memref<1x50xi32, #tpu.memory_space<vmem>>
    %dma_start3A_50 = tpu.memref_squeeze %dma_start3A_49 : memref<1x50xi32, #tpu.memory_space<vmem>> -> memref<50xi32, #tpu.memory_space<vmem>>
    %dma_start3A_51 = arith.constant 0 : i32
    %dma_start3A_52 = arith.constant 0 : i32
    %dma_start3A_53 = tpu.memref_slice %arg3[%dma_start3A_51, %dma_start3A_52] : memref<1000000x64xf32, #tpu.memory_space<hbm>> -> memref<1000000x64xf32, #tpu.memory_space<hbm>>
    tpu.enqueue_indirect_dma source(%dma_start3A_53 : memref<1000000x64xf32, #tpu.memory_space<hbm>>) target(%dma_start3A_47 : memref<50x64xf32, #tpu.memory_space<vmem>>) offsets(%dma_start3A_50 : memref<50xi32, #tpu.memory_space<vmem>>) semaphore(%arg8 : memref<!tpu.dma_semaphore, #tpu.memory_space<semaphore_mem>>)
    %dma_start3A_54 = arith.constant 4 : i32
    %dma_start3A_55 = arith.constant 0 : i32
    %dma_start3A_56 = arith.constant 4 : i32
    %dma_start3A_57 = arith.constant 0 : i32
    %dma_start3A_58 = arith.constant 0 : i32
    %dma_start3A_59 = tpu.memref_slice %arg6[%dma_start3A_55, %dma_start3A_56, %dma_start3A_57, %dma_start3A_58] : memref<2x8x50x64xf32, #tpu.memory_space<vmem>> -> memref<1x1x50x64xf32, #tpu.memory_space<vmem>>
    %dma_start3A_60 = tpu.memref_squeeze %dma_start3A_59 : memref<1x1x50x64xf32, #tpu.memory_space<vmem>> -> memref<50x64xf32, #tpu.memory_space<vmem>>
    %dma_start3A_61 = arith.constant 0 : i32
    %dma_start3A_62 = tpu.memref_slice %arg5[%dma_start3A_54, %dma_start3A_61] : memref<512x50xi32, #tpu.memory_space<vmem>> -> memref<1x50xi32, #tpu.memory_space<vmem>>
    %dma_start3A_63 = tpu.memref_squeeze %dma_start3A_62 : memref<1x50xi32, #tpu.memory_space<vmem>> -> memref<50xi32, #tpu.memory_space<vmem>>
    %dma_start3A_64 = arith.constant 0 : i32
    %dma_start3A_65 = arith.constant 0 : i32
    %dma_start3A_66 = tpu.memref_slice %arg3[%dma_start3A_64, %dma_start3A_65] : memref<1000000x64xf32, #tpu.memory_space<hbm>> -> memref<1000000x64xf32, #tpu.memory_space<hbm>>
    tpu.enqueue_indirect_dma source(%dma_start3A_66 : memref<1000000x64xf32, #tpu.memory_space<hbm>>) target(%dma_start3A_60 : memref<50x64xf32, #tpu.memory_space<vmem>>) offsets(%dma_start3A_63 : memref<50xi32, #tpu.memory_space<vmem>>) semaphore(%arg8 : memref<!tpu.dma_semaphore, #tpu.memory_space<semaphore_mem>>)
    %dma_start3A_67 = arith.constant 5 : i32
    %dma_start3A_68 = arith.constant 0 : i32
    %dma_start3A_69 = arith.constant 5 : i32
    %dma_start3A_70 = arith.constant 0 : i32
    %dma_start3A_71 = arith.constant 0 : i32
    %dma_start3A_72 = tpu.memref_slice %arg6[%dma_start3A_68, %dma_start3A_69, %dma_start3A_70, %dma_start3A_71] : memref<2x8x50x64xf32, #tpu.memory_space<vmem>> -> memref<1x1x50x64xf32, #tpu.memory_space<vmem>>
    %dma_start3A_73 = tpu.memref_squeeze %dma_start3A_72 : memref<1x1x50x64xf32, #tpu.memory_space<vmem>> -> memref<50x64xf32, #tpu.memory_space<vmem>>
    %dma_start3A_74 = arith.constant 0 : i32
    %dma_start3A_75 = tpu.memref_slice %arg5[%dma_start3A_67, %dma_start3A_74] : memref<512x50xi32, #tpu.memory_space<vmem>> -> memref<1x50xi32, #tpu.memory_space<vmem>>
    %dma_start3A_76 = tpu.memref_squeeze %dma_start3A_75 : memref<1x50xi32, #tpu.memory_space<vmem>> -> memref<50xi32, #tpu.memory_space<vmem>>
    %dma_start3A_77 = arith.constant 0 : i32
    %dma_start3A_78 = arith.constant 0 : i32
    %dma_start3A_79 = tpu.memref_slice %arg3[%dma_start3A_77, %dma_start3A_78] : memref<1000000x64xf32, #tpu.memory_space<hbm>> -> memref<1000000x64xf32, #tpu.memory_space<hbm>>
    tpu.enqueue_indirect_dma source(%dma_start3A_79 : memref<1000000x64xf32, #tpu.memory_space<hbm>>) target(%dma_start3A_73 : memref<50x64xf32, #tpu.memory_space<vmem>>) offsets(%dma_start3A_76 : memref<50xi32, #tpu.memory_space<vmem>>) semaphore(%arg8 : memref<!tpu.dma_semaphore, #tpu.memory_space<semaphore_mem>>)
    %dma_start3A_80 = arith.constant 6 : i32
    %dma_start3A_81 = arith.constant 0 : i32
    %dma_start3A_82 = arith.constant 6 : i32
    %dma_start3A_83 = arith.constant 0 : i32
    %dma_start3A_84 = arith.constant 0 : i32
    %dma_start3A_85 = tpu.memref_slice %arg6[%dma_start3A_81, %dma_start3A_82, %dma_start3A_83, %dma_start3A_84] : memref<2x8x50x64xf32, #tpu.memory_space<vmem>> -> memref<1x1x50x64xf32, #tpu.memory_space<vmem>>
    %dma_start3A_86 = tpu.memref_squeeze %dma_start3A_85 : memref<1x1x50x64xf32, #tpu.memory_space<vmem>> -> memref<50x64xf32, #tpu.memory_space<vmem>>
    %dma_start3A_87 = arith.constant 0 : i32
    %dma_start3A_88 = tpu.memref_slice %arg5[%dma_start3A_80, %dma_start3A_87] : memref<512x50xi32, #tpu.memory_space<vmem>> -> memref<1x50xi32, #tpu.memory_space<vmem>>
    %dma_start3A_89 = tpu.memref_squeeze %dma_start3A_88 : memref<1x50xi32, #tpu.memory_space<vmem>> -> memref<50xi32, #tpu.memory_space<vmem>>
    %dma_start3A_90 = arith.constant 0 : i32
    %dma_start3A_91 = arith.constant 0 : i32
    %dma_start3A_92 = tpu.memref_slice %arg3[%dma_start3A_90, %dma_start3A_91] : memref<1000000x64xf32, #tpu.memory_space<hbm>> -> memref<1000000x64xf32, #tpu.memory_space<hbm>>
    tpu.enqueue_indirect_dma source(%dma_start3A_92 : memref<1000000x64xf32, #tpu.memory_space<hbm>>) target(%dma_start3A_86 : memref<50x64xf32, #tpu.memory_space<vmem>>) offsets(%dma_start3A_89 : memref<50xi32, #tpu.memory_space<vmem>>) semaphore(%arg8 : memref<!tpu.dma_semaphore, #tpu.memory_space<semaphore_mem>>)
    %dma_start3A_93 = arith.constant 7 : i32
    %dma_start3A_94 = arith.constant 0 : i32
    %dma_start3A_95 = arith.constant 7 : i32
    %dma_start3A_96 = arith.constant 0 : i32
    %dma_start3A_97 = arith.constant 0 : i32
    %dma_start3A_98 = tpu.memref_slice %arg6[%dma_start3A_94, %dma_start3A_95, %dma_start3A_96, %dma_start3A_97] : memref<2x8x50x64xf32, #tpu.memory_space<vmem>> -> memref<1x1x50x64xf32, #tpu.memory_space<vmem>>
    %dma_start3A_99 = tpu.memref_squeeze %dma_start3A_98 : memref<1x1x50x64xf32, #tpu.memory_space<vmem>> -> memref<50x64xf32, #tpu.memory_space<vmem>>
    %dma_start3A_100 = arith.constant 0 : i32
    %dma_start3A_101 = tpu.memref_slice %arg5[%dma_start3A_93, %dma_start3A_100] : memref<512x50xi32, #tpu.memory_space<vmem>> -> memref<1x50xi32, #tpu.memory_space<vmem>>
    %dma_start3A_102 = tpu.memref_squeeze %dma_start3A_101 : memref<1x50xi32, #tpu.memory_space<vmem>> -> memref<50xi32, #tpu.memory_space<vmem>>
    %dma_start3A_103 = arith.constant 0 : i32
    %dma_start3A_104 = arith.constant 0 : i32
    %dma_start3A_105 = tpu.memref_slice %arg3[%dma_start3A_103, %dma_start3A_104] : memref<1000000x64xf32, #tpu.memory_space<hbm>> -> memref<1000000x64xf32, #tpu.memory_space<hbm>>
    tpu.enqueue_indirect_dma source(%dma_start3A_105 : memref<1000000x64xf32, #tpu.memory_space<hbm>>) target(%dma_start3A_99 : memref<50x64xf32, #tpu.memory_space<vmem>>) offsets(%dma_start3A_102 : memref<50xi32, #tpu.memory_space<vmem>>) semaphore(%arg8 : memref<!tpu.dma_semaphore, #tpu.memory_space<semaphore_mem>>)
    %scan3A = arith.constant 0 : i32
    %scan3A_106 = arith.constant 0 : i32
    %scan3A_107 = arith.constant 32 : i32
    %scan3A_108 = arith.addi %scan3A_106, %scan3A_107 : i32
    %scan3A_109 = arith.constant 1 : i32
    scf.for %scan3A_111 = %scan3A_106 to %scan3A_108 step %scan3A_109  : i32 {
      %mul3A_112 = arith.constant 2 : i32
      %mul3A_113 = arith.muli %scan3A_111, %mul3A_112 : i32
      %add3A_114 = arith.constant 1 : i32
      %add3A_115 = arith.addi %mul3A_113, %add3A_114 : i32
      %mul3A_116 = arith.constant 8 : i32
      %mul3A_117 = arith.muli %add3A_115, %mul3A_116 : i32
      %add3A_118 = arith.constant 0 : i32
      %add3A_119 = arith.addi %mul3A_117, %add3A_118 : i32
      %dma_start3A_120 = arith.constant 1 : i32
      %dma_start3A_121 = arith.constant 0 : i32
      %dma_start3A_122 = arith.constant 0 : i32
      %dma_start3A_123 = arith.constant 0 : i32
      %dma_start3A_124 = tpu.memref_slice %arg6[%dma_start3A_120, %dma_start3A_121, %dma_start3A_122, %dma_start3A_123] : memref<2x8x50x64xf32, #tpu.memory_space<vmem>> -> memref<1x1x50x64xf32, #tpu.memory_space<vmem>>
      %dma_start3A_125 = tpu.memref_squeeze %dma_start3A_124 : memref<1x1x50x64xf32, #tpu.memory_space<vmem>> -> memref<50x64xf32, #tpu.memory_space<vmem>>
      %dma_start3A_126 = arith.constant 0 : i32
      %dma_start3A_127 = tpu.memref_slice %arg5[%add3A_119, %dma_start3A_126] : memref<512x50xi32, #tpu.memory_space<vmem>> -> memref<1x50xi32, #tpu.memory_space<vmem>>
      %dma_start3A_128 = tpu.memref_squeeze %dma_start3A_127 : memref<1x50xi32, #tpu.memory_space<vmem>> -> memref<50xi32, #tpu.memory_space<vmem>>
      %dma_start3A_129 = arith.constant 0 : i32
      %dma_start3A_130 = arith.constant 0 : i32
      %dma_start3A_131 = tpu.memref_slice %arg3[%dma_start3A_129, %dma_start3A_130] : memref<1000000x64xf32, #tpu.memory_space<hbm>> -> memref<1000000x64xf32, #tpu.memory_space<hbm>>
      tpu.enqueue_indirect_dma source(%dma_start3A_131 : memref<1000000x64xf32, #tpu.memory_space<hbm>>) target(%dma_start3A_125 : memref<50x64xf32, #tpu.memory_space<vmem>>) offsets(%dma_start3A_128 : memref<50xi32, #tpu.memory_space<vmem>>) semaphore(%arg9 : memref<!tpu.dma_semaphore, #tpu.memory_space<semaphore_mem>>)
      %mul3A_132 = arith.constant 8 : i32
      %mul3A_133 = arith.muli %add3A_115, %mul3A_132 : i32
      %add3A_134 = arith.constant 1 : i32
      %add3A_135 = arith.addi %mul3A_133, %add3A_134 : i32
      %dma_start3A_136 = arith.constant 1 : i32
      %dma_start3A_137 = arith.constant 1 : i32
      %dma_start3A_138 = arith.constant 0 : i32
      %dma_start3A_139 = arith.constant 0 : i32
      %dma_start3A_140 = tpu.memref_slice %arg6[%dma_start3A_136, %dma_start3A_137, %dma_start3A_138, %dma_start3A_139] : memref<2x8x50x64xf32, #tpu.memory_space<vmem>> -> memref<1x1x50x64xf32, #tpu.memory_space<vmem>>
      %dma_start3A_141 = tpu.memref_squeeze %dma_start3A_140 : memref<1x1x50x64xf32, #tpu.memory_space<vmem>> -> memref<50x64xf32, #tpu.memory_space<vmem>>
      %dma_start3A_142 = arith.constant 0 : i32
      %dma_start3A_143 = tpu.memref_slice %arg5[%add3A_135, %dma_start3A_142] : memref<512x50xi32, #tpu.memory_space<vmem>> -> memref<1x50xi32, #tpu.memory_space<vmem>>
      %dma_start3A_144 = tpu.memref_squeeze %dma_start3A_143 : memref<1x50xi32, #tpu.memory_space<vmem>> -> memref<50xi32, #tpu.memory_space<vmem>>
      %dma_start3A_145 = arith.constant 0 : i32
      %dma_start3A_146 = arith.constant 0 : i32
      %dma_start3A_147 = tpu.memref_slice %arg3[%dma_start3A_145, %dma_start3A_146] : memref<1000000x64xf32, #tpu.memory_space<hbm>> -> memref<1000000x64xf32, #tpu.memory_space<hbm>>
      tpu.enqueue_indirect_dma source(%dma_start3A_147 : memref<1000000x64xf32, #tpu.memory_space<hbm>>) target(%dma_start3A_141 : memref<50x64xf32, #tpu.memory_space<vmem>>) offsets(%dma_start3A_144 : memref<50xi32, #tpu.memory_space<vmem>>) semaphore(%arg9 : memref<!tpu.dma_semaphore, #tpu.memory_space<semaphore_mem>>)
      %mul3A_148 = arith.constant 8 : i32
      %mul3A_149 = arith.muli %add3A_115, %mul3A_148 : i32
      %add3A_150 = arith.constant 2 : i32
      %add3A_151 = arith.addi %mul3A_149, %add3A_150 : i32
      %dma_start3A_152 = arith.constant 1 : i32
      %dma_start3A_153 = arith.constant 2 : i32
      %dma_start3A_154 = arith.constant 0 : i32
      %dma_start3A_155 = arith.constant 0 : i32
      %dma_start3A_156 = tpu.memref_slice %arg6[%dma_start3A_152, %dma_start3A_153, %dma_start3A_154, %dma_start3A_155] : memref<2x8x50x64xf32, #tpu.memory_space<vmem>> -> memref<1x1x50x64xf32, #tpu.memory_space<vmem>>
      %dma_start3A_157 = tpu.memref_squeeze %dma_start3A_156 : memref<1x1x50x64xf32, #tpu.memory_space<vmem>> -> memref<50x64xf32, #tpu.memory_space<vmem>>
      %dma_start3A_158 = arith.constant 0 : i32
      %dma_start3A_159 = tpu.memref_slice %arg5[%add3A_151, %dma_start3A_158] : memref<512x50xi32, #tpu.memory_space<vmem>> -> memref<1x50xi32, #tpu.memory_space<vmem>>
      %dma_start3A_160 = tpu.memref_squeeze %dma_start3A_159 : memref<1x50xi32, #tpu.memory_space<vmem>> -> memref<50xi32, #tpu.memory_space<vmem>>
      %dma_start3A_161 = arith.constant 0 : i32
      %dma_start3A_162 = arith.constant 0 : i32
      %dma_start3A_163 = tpu.memref_slice %arg3[%dma_start3A_161, %dma_start3A_162] : memref<1000000x64xf32, #tpu.memory_space<hbm>> -> memref<1000000x64xf32, #tpu.memory_space<hbm>>
      tpu.enqueue_indirect_dma source(%dma_start3A_163 : memref<1000000x64xf32, #tpu.memory_space<hbm>>) target(%dma_start3A_157 : memref<50x64xf32, #tpu.memory_space<vmem>>) offsets(%dma_start3A_160 : memref<50xi32, #tpu.memory_space<vmem>>) semaphore(%arg9 : memref<!tpu.dma_semaphore, #tpu.memory_space<semaphore_mem>>)
      %mul3A_164 = arith.constant 8 : i32
      %mul3A_165 = arith.muli %add3A_115, %mul3A_164 : i32
      %add3A_166 = arith.constant 3 : i32
      %add3A_167 = arith.addi %mul3A_165, %add3A_166 : i32
      %dma_start3A_168 = arith.constant 1 : i32
      %dma_start3A_169 = arith.constant 3 : i32
      %dma_start3A_170 = arith.constant 0 : i32
      %dma_start3A_171 = arith.constant 0 : i32
      %dma_start3A_172 = tpu.memref_slice %arg6[%dma_start3A_168, %dma_start3A_169, %dma_start3A_170, %dma_start3A_171] : memref<2x8x50x64xf32, #tpu.memory_space<vmem>> -> memref<1x1x50x64xf32, #tpu.memory_space<vmem>>
      %dma_start3A_173 = tpu.memref_squeeze %dma_start3A_172 : memref<1x1x50x64xf32, #tpu.memory_space<vmem>> -> memref<50x64xf32, #tpu.memory_space<vmem>>
      %dma_start3A_174 = arith.constant 0 : i32
      %dma_start3A_175 = tpu.memref_slice %arg5[%add3A_167, %dma_start3A_174] : memref<512x50xi32, #tpu.memory_space<vmem>> -> memref<1x50xi32, #tpu.memory_space<vmem>>
      %dma_start3A_176 = tpu.memref_squeeze %dma_start3A_175 : memref<1x50xi32, #tpu.memory_space<vmem>> -> memref<50xi32, #tpu.memory_space<vmem>>
      %dma_start3A_177 = arith.constant 0 : i32
      %dma_start3A_178 = arith.constant 0 : i32
      %dma_start3A_179 = tpu.memref_slice %arg3[%dma_start3A_177, %dma_start3A_178] : memref<1000000x64xf32, #tpu.memory_space<hbm>> -> memref<1000000x64xf32, #tpu.memory_space<hbm>>
      tpu.enqueue_indirect_dma source(%dma_start3A_179 : memref<1000000x64xf32, #tpu.memory_space<hbm>>) target(%dma_start3A_173 : memref<50x64xf32, #tpu.memory_space<vmem>>) offsets(%dma_start3A_176 : memref<50xi32, #tpu.memory_space<vmem>>) semaphore(%arg9 : memref<!tpu.dma_semaphore, #tpu.memory_space<semaphore_mem>>)
      %mul3A_180 = arith.constant 8 : i32
      %mul3A_181 = arith.muli %add3A_115, %mul3A_180 : i32
      %add3A_182 = arith.constant 4 : i32
      %add3A_183 = arith.addi %mul3A_181, %add3A_182 : i32
      %dma_start3A_184 = arith.constant 1 : i32
      %dma_start3A_185 = arith.constant 4 : i32
      %dma_start3A_186 = arith.constant 0 : i32
      %dma_start3A_187 = arith.constant 0 : i32
      %dma_start3A_188 = tpu.memref_slice %arg6[%dma_start3A_184, %dma_start3A_185, %dma_start3A_186, %dma_start3A_187] : memref<2x8x50x64xf32, #tpu.memory_space<vmem>> -> memref<1x1x50x64xf32, #tpu.memory_space<vmem>>
      %dma_start3A_189 = tpu.memref_squeeze %dma_start3A_188 : memref<1x1x50x64xf32, #tpu.memory_space<vmem>> -> memref<50x64xf32, #tpu.memory_space<vmem>>
      %dma_start3A_190 = arith.constant 0 : i32
      %dma_start3A_191 = tpu.memref_slice %arg5[%add3A_183, %dma_start3A_190] : memref<512x50xi32, #tpu.memory_space<vmem>> -> memref<1x50xi32, #tpu.memory_space<vmem>>
      %dma_start3A_192 = tpu.memref_squeeze %dma_start3A_191 : memref<1x50xi32, #tpu.memory_space<vmem>> -> memref<50xi32, #tpu.memory_space<vmem>>
      %dma_start3A_193 = arith.constant 0 : i32
      %dma_start3A_194 = arith.constant 0 : i32
      %dma_start3A_195 = tpu.memref_slice %arg3[%dma_start3A_193, %dma_start3A_194] : memref<1000000x64xf32, #tpu.memory_space<hbm>> -> memref<1000000x64xf32, #tpu.memory_space<hbm>>
      tpu.enqueue_indirect_dma source(%dma_start3A_195 : memref<1000000x64xf32, #tpu.memory_space<hbm>>) target(%dma_start3A_189 : memref<50x64xf32, #tpu.memory_space<vmem>>) offsets(%dma_start3A_192 : memref<50xi32, #tpu.memory_space<vmem>>) semaphore(%arg9 : memref<!tpu.dma_semaphore, #tpu.memory_space<semaphore_mem>>)
      %mul3A_196 = arith.constant 8 : i32
      %mul3A_197 = arith.muli %add3A_115, %mul3A_196 : i32
      %add3A_198 = arith.constant 5 : i32
      %add3A_199 = arith.addi %mul3A_197, %add3A_198 : i32
      %dma_start3A_200 = arith.constant 1 : i32
      %dma_start3A_201 = arith.constant 5 : i32
      %dma_start3A_202 = arith.constant 0 : i32
      %dma_start3A_203 = arith.constant 0 : i32
      %dma_start3A_204 = tpu.memref_slice %arg6[%dma_start3A_200, %dma_start3A_201, %dma_start3A_202, %dma_start3A_203] : memref<2x8x50x64xf32, #tpu.memory_space<vmem>> -> memref<1x1x50x64xf32, #tpu.memory_space<vmem>>
      %dma_start3A_205 = tpu.memref_squeeze %dma_start3A_204 : memref<1x1x50x64xf32, #tpu.memory_space<vmem>> -> memref<50x64xf32, #tpu.memory_space<vmem>>
      %dma_start3A_206 = arith.constant 0 : i32
      %dma_start3A_207 = tpu.memref_slice %arg5[%add3A_199, %dma_start3A_206] : memref<512x50xi32, #tpu.memory_space<vmem>> -> memref<1x50xi32, #tpu.memory_space<vmem>>
      %dma_start3A_208 = tpu.memref_squeeze %dma_start3A_207 : memref<1x50xi32, #tpu.memory_space<vmem>> -> memref<50xi32, #tpu.memory_space<vmem>>
      %dma_start3A_209 = arith.constant 0 : i32
      %dma_start3A_210 = arith.constant 0 : i32
      %dma_start3A_211 = tpu.memref_slice %arg3[%dma_start3A_209, %dma_start3A_210] : memref<1000000x64xf32, #tpu.memory_space<hbm>> -> memref<1000000x64xf32, #tpu.memory_space<hbm>>
      tpu.enqueue_indirect_dma source(%dma_start3A_211 : memref<1000000x64xf32, #tpu.memory_space<hbm>>) target(%dma_start3A_205 : memref<50x64xf32, #tpu.memory_space<vmem>>) offsets(%dma_start3A_208 : memref<50xi32, #tpu.memory_space<vmem>>) semaphore(%arg9 : memref<!tpu.dma_semaphore, #tpu.memory_space<semaphore_mem>>)
      %mul3A_212 = arith.constant 8 : i32
      %mul3A_213 = arith.muli %add3A_115, %mul3A_212 : i32
      %add3A_214 = arith.constant 6 : i32
      %add3A_215 = arith.addi %mul3A_213, %add3A_214 : i32
      %dma_start3A_216 = arith.constant 1 : i32
      %dma_start3A_217 = arith.constant 6 : i32
      %dma_start3A_218 = arith.constant 0 : i32
      %dma_start3A_219 = arith.constant 0 : i32
      %dma_start3A_220 = tpu.memref_slice %arg6[%dma_start3A_216, %dma_start3A_217, %dma_start3A_218, %dma_start3A_219] : memref<2x8x50x64xf32, #tpu.memory_space<vmem>> -> memref<1x1x50x64xf32, #tpu.memory_space<vmem>>
      %dma_start3A_221 = tpu.memref_squeeze %dma_start3A_220 : memref<1x1x50x64xf32, #tpu.memory_space<vmem>> -> memref<50x64xf32, #tpu.memory_space<vmem>>
      %dma_start3A_222 = arith.constant 0 : i32
      %dma_start3A_223 = tpu.memref_slice %arg5[%add3A_215, %dma_start3A_222] : memref<512x50xi32, #tpu.memory_space<vmem>> -> memref<1x50xi32, #tpu.memory_space<vmem>>
      %dma_start3A_224 = tpu.memref_squeeze %dma_start3A_223 : memref<1x50xi32, #tpu.memory_space<vmem>> -> memref<50xi32, #tpu.memory_space<vmem>>
      %dma_start3A_225 = arith.constant 0 : i32
      %dma_start3A_226 = arith.constant 0 : i32
      %dma_start3A_227 = tpu.memref_slice %arg3[%dma_start3A_225, %dma_start3A_226] : memref<1000000x64xf32, #tpu.memory_space<hbm>> -> memref<1000000x64xf32, #tpu.memory_space<hbm>>
      tpu.enqueue_indirect_dma source(%dma_start3A_227 : memref<1000000x64xf32, #tpu.memory_space<hbm>>) target(%dma_start3A_221 : memref<50x64xf32, #tpu.memory_space<vmem>>) offsets(%dma_start3A_224 : memref<50xi32, #tpu.memory_space<vmem>>) semaphore(%arg9 : memref<!tpu.dma_semaphore, #tpu.memory_space<semaphore_mem>>)
      %mul3A_228 = arith.constant 8 : i32
      %mul3A_229 = arith.muli %add3A_115, %mul3A_228 : i32
      %add3A_230 = arith.constant 7 : i32
      %add3A_231 = arith.addi %mul3A_229, %add3A_230 : i32
      %dma_start3A_232 = arith.constant 1 : i32
      %dma_start3A_233 = arith.constant 7 : i32
      %dma_start3A_234 = arith.constant 0 : i32
      %dma_start3A_235 = arith.constant 0 : i32
      %dma_start3A_236 = tpu.memref_slice %arg6[%dma_start3A_232, %dma_start3A_233, %dma_start3A_234, %dma_start3A_235] : memref<2x8x50x64xf32, #tpu.memory_space<vmem>> -> memref<1x1x50x64xf32, #tpu.memory_space<vmem>>
      %dma_start3A_237 = tpu.memref_squeeze %dma_start3A_236 : memref<1x1x50x64xf32, #tpu.memory_space<vmem>> -> memref<50x64xf32, #tpu.memory_space<vmem>>
      %dma_start3A_238 = arith.constant 0 : i32
      %dma_start3A_239 = tpu.memref_slice %arg5[%add3A_231, %dma_start3A_238] : memref<512x50xi32, #tpu.memory_space<vmem>> -> memref<1x50xi32, #tpu.memory_space<vmem>>
      %dma_start3A_240 = tpu.memref_squeeze %dma_start3A_239 : memref<1x50xi32, #tpu.memory_space<vmem>> -> memref<50xi32, #tpu.memory_space<vmem>>
      %dma_start3A_241 = arith.constant 0 : i32
      %dma_start3A_242 = arith.constant 0 : i32
      %dma_start3A_243 = tpu.memref_slice %arg3[%dma_start3A_241, %dma_start3A_242] : memref<1000000x64xf32, #tpu.memory_space<hbm>> -> memref<1000000x64xf32, #tpu.memory_space<hbm>>
      tpu.enqueue_indirect_dma source(%dma_start3A_243 : memref<1000000x64xf32, #tpu.memory_space<hbm>>) target(%dma_start3A_237 : memref<50x64xf32, #tpu.memory_space<vmem>>) offsets(%dma_start3A_240 : memref<50xi32, #tpu.memory_space<vmem>>) semaphore(%arg9 : memref<!tpu.dma_semaphore, #tpu.memory_space<semaphore_mem>>)
      %mul3A_244 = arith.constant 8 : i32
      %mul3A_245 = arith.muli %mul3A_113, %mul3A_244 : i32
      %add3A_246 = arith.constant 0 : i32
      %add3A_247 = arith.addi %mul3A_245, %add3A_246 : i32
      %dma_wait3A = arith.constant 0 : i32
      %dma_wait3A_248 = arith.constant 0 : i32
      %dma_wait3A_249 = arith.constant 0 : i32
      %dma_wait3A_250 = arith.constant 0 : i32
      %dma_wait3A_251 = tpu.memref_slice %arg6[%dma_wait3A, %dma_wait3A_248, %dma_wait3A_249, %dma_wait3A_250] : memref<2x8x50x64xf32, #tpu.memory_space<vmem>> -> memref<1x1x50x64xf32, #tpu.memory_space<vmem>>
      %dma_wait3A_252 = tpu.memref_squeeze %dma_wait3A_251 : memref<1x1x50x64xf32, #tpu.memory_space<vmem>> -> memref<50x64xf32, #tpu.memory_space<vmem>>
      %dma_wait3A_253 = arith.constant 0 : i32
      %dma_wait3A_254 = tpu.memref_slice %arg5[%add3A_247, %dma_wait3A_253] : memref<512x50xi32, #tpu.memory_space<vmem>> -> memref<1x50xi32, #tpu.memory_space<vmem>>
      %dma_wait3A_255 = tpu.memref_squeeze %dma_wait3A_254 : memref<1x50xi32, #tpu.memory_space<vmem>> -> memref<50xi32, #tpu.memory_space<vmem>>
      %dma_wait3A_256 = arith.constant 0 : i32
      %dma_wait3A_257 = arith.constant 0 : i32
      %dma_wait3A_258 = tpu.memref_slice %arg3[%dma_wait3A_256, %dma_wait3A_257] : memref<1000000x64xf32, #tpu.memory_space<hbm>> -> memref<1000000x64xf32, #tpu.memory_space<hbm>>
      tpu.wait_indirect_dma semaphore(%arg8 : memref<!tpu.dma_semaphore, #tpu.memory_space<semaphore_mem>>) src(%dma_wait3A_258 : memref<1000000x64xf32, #tpu.memory_space<hbm>>) dst(%dma_wait3A_252 : memref<50x64xf32, #tpu.memory_space<vmem>>)
      %mul3A_259 = arith.constant 8 : i32
      %mul3A_260 = arith.muli %mul3A_113, %mul3A_259 : i32
      %add3A_261 = arith.constant 1 : i32
      %add3A_262 = arith.addi %mul3A_260, %add3A_261 : i32
      %dma_wait3A_263 = arith.constant 0 : i32
      %dma_wait3A_264 = arith.constant 1 : i32
      %dma_wait3A_265 = arith.constant 0 : i32
      %dma_wait3A_266 = arith.constant 0 : i32
      %dma_wait3A_267 = tpu.memref_slice %arg6[%dma_wait3A_263, %dma_wait3A_264, %dma_wait3A_265, %dma_wait3A_266] : memref<2x8x50x64xf32, #tpu.memory_space<vmem>> -> memref<1x1x50x64xf32, #tpu.memory_space<vmem>>
      %dma_wait3A_268 = tpu.memref_squeeze %dma_wait3A_267 : memref<1x1x50x64xf32, #tpu.memory_space<vmem>> -> memref<50x64xf32, #tpu.memory_space<vmem>>
      %dma_wait3A_269 = arith.constant 0 : i32
      %dma_wait3A_270 = tpu.memref_slice %arg5[%add3A_262, %dma_wait3A_269] : memref<512x50xi32, #tpu.memory_space<vmem>> -> memref<1x50xi32, #tpu.memory_space<vmem>>
      %dma_wait3A_271 = tpu.memref_squeeze %dma_wait3A_270 : memref<1x50xi32, #tpu.memory_space<vmem>> -> memref<50xi32, #tpu.memory_space<vmem>>
      %dma_wait3A_272 = arith.constant 0 : i32
      %dma_wait3A_273 = arith.constant 0 : i32
      %dma_wait3A_274 = tpu.memref_slice %arg3[%dma_wait3A_272, %dma_wait3A_273] : memref<1000000x64xf32, #tpu.memory_space<hbm>> -> memref<1000000x64xf32, #tpu.memory_space<hbm>>
      tpu.wait_indirect_dma semaphore(%arg8 : memref<!tpu.dma_semaphore, #tpu.memory_space<semaphore_mem>>) src(%dma_wait3A_274 : memref<1000000x64xf32, #tpu.memory_space<hbm>>) dst(%dma_wait3A_268 : memref<50x64xf32, #tpu.memory_space<vmem>>)
      %mul3A_275 = arith.constant 8 : i32
      %mul3A_276 = arith.muli %mul3A_113, %mul3A_275 : i32
      %add3A_277 = arith.constant 2 : i32
      %add3A_278 = arith.addi %mul3A_276, %add3A_277 : i32
      %dma_wait3A_279 = arith.constant 0 : i32
      %dma_wait3A_280 = arith.constant 2 : i32
      %dma_wait3A_281 = arith.constant 0 : i32
      %dma_wait3A_282 = arith.constant 0 : i32
      %dma_wait3A_283 = tpu.memref_slice %arg6[%dma_wait3A_279, %dma_wait3A_280, %dma_wait3A_281, %dma_wait3A_282] : memref<2x8x50x64xf32, #tpu.memory_space<vmem>> -> memref<1x1x50x64xf32, #tpu.memory_space<vmem>>
      %dma_wait3A_284 = tpu.memref_squeeze %dma_wait3A_283 : memref<1x1x50x64xf32, #tpu.memory_space<vmem>> -> memref<50x64xf32, #tpu.memory_space<vmem>>
      %dma_wait3A_285 = arith.constant 0 : i32
      %dma_wait3A_286 = tpu.memref_slice %arg5[%add3A_278, %dma_wait3A_285] : memref<512x50xi32, #tpu.memory_space<vmem>> -> memref<1x50xi32, #tpu.memory_space<vmem>>
      %dma_wait3A_287 = tpu.memref_squeeze %dma_wait3A_286 : memref<1x50xi32, #tpu.memory_space<vmem>> -> memref<50xi32, #tpu.memory_space<vmem>>
      %dma_wait3A_288 = arith.constant 0 : i32
      %dma_wait3A_289 = arith.constant 0 : i32
      %dma_wait3A_290 = tpu.memref_slice %arg3[%dma_wait3A_288, %dma_wait3A_289] : memref<1000000x64xf32, #tpu.memory_space<hbm>> -> memref<1000000x64xf32, #tpu.memory_space<hbm>>
      tpu.wait_indirect_dma semaphore(%arg8 : memref<!tpu.dma_semaphore, #tpu.memory_space<semaphore_mem>>) src(%dma_wait3A_290 : memref<1000000x64xf32, #tpu.memory_space<hbm>>) dst(%dma_wait3A_284 : memref<50x64xf32, #tpu.memory_space<vmem>>)
      %mul3A_291 = arith.constant 8 : i32
      %mul3A_292 = arith.muli %mul3A_113, %mul3A_291 : i32
      %add3A_293 = arith.constant 3 : i32
      %add3A_294 = arith.addi %mul3A_292, %add3A_293 : i32
      %dma_wait3A_295 = arith.constant 0 : i32
      %dma_wait3A_296 = arith.constant 3 : i32
      %dma_wait3A_297 = arith.constant 0 : i32
      %dma_wait3A_298 = arith.constant 0 : i32
      %dma_wait3A_299 = tpu.memref_slice %arg6[%dma_wait3A_295, %dma_wait3A_296, %dma_wait3A_297, %dma_wait3A_298] : memref<2x8x50x64xf32, #tpu.memory_space<vmem>> -> memref<1x1x50x64xf32, #tpu.memory_space<vmem>>
      %dma_wait3A_300 = tpu.memref_squeeze %dma_wait3A_299 : memref<1x1x50x64xf32, #tpu.memory_space<vmem>> -> memref<50x64xf32, #tpu.memory_space<vmem>>
      %dma_wait3A_301 = arith.constant 0 : i32
      %dma_wait3A_302 = tpu.memref_slice %arg5[%add3A_294, %dma_wait3A_301] : memref<512x50xi32, #tpu.memory_space<vmem>> -> memref<1x50xi32, #tpu.memory_space<vmem>>
      %dma_wait3A_303 = tpu.memref_squeeze %dma_wait3A_302 : memref<1x50xi32, #tpu.memory_space<vmem>> -> memref<50xi32, #tpu.memory_space<vmem>>
      %dma_wait3A_304 = arith.constant 0 : i32
      %dma_wait3A_305 = arith.constant 0 : i32
      %dma_wait3A_306 = tpu.memref_slice %arg3[%dma_wait3A_304, %dma_wait3A_305] : memref<1000000x64xf32, #tpu.memory_space<hbm>> -> memref<1000000x64xf32, #tpu.memory_space<hbm>>
      tpu.wait_indirect_dma semaphore(%arg8 : memref<!tpu.dma_semaphore, #tpu.memory_space<semaphore_mem>>) src(%dma_wait3A_306 : memref<1000000x64xf32, #tpu.memory_space<hbm>>) dst(%dma_wait3A_300 : memref<50x64xf32, #tpu.memory_space<vmem>>)
      %mul3A_307 = arith.constant 8 : i32
      %mul3A_308 = arith.muli %mul3A_113, %mul3A_307 : i32
      %add3A_309 = arith.constant 4 : i32
      %add3A_310 = arith.addi %mul3A_308, %add3A_309 : i32
      %dma_wait3A_311 = arith.constant 0 : i32
      %dma_wait3A_312 = arith.constant 4 : i32
      %dma_wait3A_313 = arith.constant 0 : i32
      %dma_wait3A_314 = arith.constant 0 : i32
      %dma_wait3A_315 = tpu.memref_slice %arg6[%dma_wait3A_311, %dma_wait3A_312, %dma_wait3A_313, %dma_wait3A_314] : memref<2x8x50x64xf32, #tpu.memory_space<vmem>> -> memref<1x1x50x64xf32, #tpu.memory_space<vmem>>
      %dma_wait3A_316 = tpu.memref_squeeze %dma_wait3A_315 : memref<1x1x50x64xf32, #tpu.memory_space<vmem>> -> memref<50x64xf32, #tpu.memory_space<vmem>>
      %dma_wait3A_317 = arith.constant 0 : i32
      %dma_wait3A_318 = tpu.memref_slice %arg5[%add3A_310, %dma_wait3A_317] : memref<512x50xi32, #tpu.memory_space<vmem>> -> memref<1x50xi32, #tpu.memory_space<vmem>>
      %dma_wait3A_319 = tpu.memref_squeeze %dma_wait3A_318 : memref<1x50xi32, #tpu.memory_space<vmem>> -> memref<50xi32, #tpu.memory_space<vmem>>
      %dma_wait3A_320 = arith.constant 0 : i32
      %dma_wait3A_321 = arith.constant 0 : i32
      %dma_wait3A_322 = tpu.memref_slice %arg3[%dma_wait3A_320, %dma_wait3A_321] : memref<1000000x64xf32, #tpu.memory_space<hbm>> -> memref<1000000x64xf32, #tpu.memory_space<hbm>>
      tpu.wait_indirect_dma semaphore(%arg8 : memref<!tpu.dma_semaphore, #tpu.memory_space<semaphore_mem>>) src(%dma_wait3A_322 : memref<1000000x64xf32, #tpu.memory_space<hbm>>) dst(%dma_wait3A_316 : memref<50x64xf32, #tpu.memory_space<vmem>>)
      %mul3A_323 = arith.constant 8 : i32
      %mul3A_324 = arith.muli %mul3A_113, %mul3A_323 : i32
      %add3A_325 = arith.constant 5 : i32
      %add3A_326 = arith.addi %mul3A_324, %add3A_325 : i32
      %dma_wait3A_327 = arith.constant 0 : i32
      %dma_wait3A_328 = arith.constant 5 : i32
      %dma_wait3A_329 = arith.constant 0 : i32
      %dma_wait3A_330 = arith.constant 0 : i32
      %dma_wait3A_331 = tpu.memref_slice %arg6[%dma_wait3A_327, %dma_wait3A_328, %dma_wait3A_329, %dma_wait3A_330] : memref<2x8x50x64xf32, #tpu.memory_space<vmem>> -> memref<1x1x50x64xf32, #tpu.memory_space<vmem>>
      %dma_wait3A_332 = tpu.memref_squeeze %dma_wait3A_331 : memref<1x1x50x64xf32, #tpu.memory_space<vmem>> -> memref<50x64xf32, #tpu.memory_space<vmem>>
      %dma_wait3A_333 = arith.constant 0 : i32
      %dma_wait3A_334 = tpu.memref_slice %arg5[%add3A_326, %dma_wait3A_333] : memref<512x50xi32, #tpu.memory_space<vmem>> -> memref<1x50xi32, #tpu.memory_space<vmem>>
      %dma_wait3A_335 = tpu.memref_squeeze %dma_wait3A_334 : memref<1x50xi32, #tpu.memory_space<vmem>> -> memref<50xi32, #tpu.memory_space<vmem>>
      %dma_wait3A_336 = arith.constant 0 : i32
      %dma_wait3A_337 = arith.constant 0 : i32
      %dma_wait3A_338 = tpu.memref_slice %arg3[%dma_wait3A_336, %dma_wait3A_337] : memref<1000000x64xf32, #tpu.memory_space<hbm>> -> memref<1000000x64xf32, #tpu.memory_space<hbm>>
      tpu.wait_indirect_dma semaphore(%arg8 : memref<!tpu.dma_semaphore, #tpu.memory_space<semaphore_mem>>) src(%dma_wait3A_338 : memref<1000000x64xf32, #tpu.memory_space<hbm>>) dst(%dma_wait3A_332 : memref<50x64xf32, #tpu.memory_space<vmem>>)
      %mul3A_339 = arith.constant 8 : i32
      %mul3A_340 = arith.muli %mul3A_113, %mul3A_339 : i32
      %add3A_341 = arith.constant 6 : i32
      %add3A_342 = arith.addi %mul3A_340, %add3A_341 : i32
      %dma_wait3A_343 = arith.constant 0 : i32
      %dma_wait3A_344 = arith.constant 6 : i32
      %dma_wait3A_345 = arith.constant 0 : i32
      %dma_wait3A_346 = arith.constant 0 : i32
      %dma_wait3A_347 = tpu.memref_slice %arg6[%dma_wait3A_343, %dma_wait3A_344, %dma_wait3A_345, %dma_wait3A_346] : memref<2x8x50x64xf32, #tpu.memory_space<vmem>> -> memref<1x1x50x64xf32, #tpu.memory_space<vmem>>
      %dma_wait3A_348 = tpu.memref_squeeze %dma_wait3A_347 : memref<1x1x50x64xf32, #tpu.memory_space<vmem>> -> memref<50x64xf32, #tpu.memory_space<vmem>>
      %dma_wait3A_349 = arith.constant 0 : i32
      %dma_wait3A_350 = tpu.memref_slice %arg5[%add3A_342, %dma_wait3A_349] : memref<512x50xi32, #tpu.memory_space<vmem>> -> memref<1x50xi32, #tpu.memory_space<vmem>>
      %dma_wait3A_351 = tpu.memref_squeeze %dma_wait3A_350 : memref<1x50xi32, #tpu.memory_space<vmem>> -> memref<50xi32, #tpu.memory_space<vmem>>
      %dma_wait3A_352 = arith.constant 0 : i32
      %dma_wait3A_353 = arith.constant 0 : i32
      %dma_wait3A_354 = tpu.memref_slice %arg3[%dma_wait3A_352, %dma_wait3A_353] : memref<1000000x64xf32, #tpu.memory_space<hbm>> -> memref<1000000x64xf32, #tpu.memory_space<hbm>>
      tpu.wait_indirect_dma semaphore(%arg8 : memref<!tpu.dma_semaphore, #tpu.memory_space<semaphore_mem>>) src(%dma_wait3A_354 : memref<1000000x64xf32, #tpu.memory_space<hbm>>) dst(%dma_wait3A_348 : memref<50x64xf32, #tpu.memory_space<vmem>>)
      %mul3A_355 = arith.constant 8 : i32
      %mul3A_356 = arith.muli %mul3A_113, %mul3A_355 : i32
      %add3A_357 = arith.constant 7 : i32
      %add3A_358 = arith.addi %mul3A_356, %add3A_357 : i32
      %dma_wait3A_359 = arith.constant 0 : i32
      %dma_wait3A_360 = arith.constant 7 : i32
      %dma_wait3A_361 = arith.constant 0 : i32
      %dma_wait3A_362 = arith.constant 0 : i32
      %dma_wait3A_363 = tpu.memref_slice %arg6[%dma_wait3A_359, %dma_wait3A_360, %dma_wait3A_361, %dma_wait3A_362] : memref<2x8x50x64xf32, #tpu.memory_space<vmem>> -> memref<1x1x50x64xf32, #tpu.memory_space<vmem>>
      %dma_wait3A_364 = tpu.memref_squeeze %dma_wait3A_363 : memref<1x1x50x64xf32, #tpu.memory_space<vmem>> -> memref<50x64xf32, #tpu.memory_space<vmem>>
      %dma_wait3A_365 = arith.constant 0 : i32
      %dma_wait3A_366 = tpu.memref_slice %arg5[%add3A_358, %dma_wait3A_365] : memref<512x50xi32, #tpu.memory_space<vmem>> -> memref<1x50xi32, #tpu.memory_space<vmem>>
      %dma_wait3A_367 = tpu.memref_squeeze %dma_wait3A_366 : memref<1x50xi32, #tpu.memory_space<vmem>> -> memref<50xi32, #tpu.memory_space<vmem>>
      %dma_wait3A_368 = arith.constant 0 : i32
      %dma_wait3A_369 = arith.constant 0 : i32
      %dma_wait3A_370 = tpu.memref_slice %arg3[%dma_wait3A_368, %dma_wait3A_369] : memref<1000000x64xf32, #tpu.memory_space<hbm>> -> memref<1000000x64xf32, #tpu.memory_space<hbm>>
      tpu.wait_indirect_dma semaphore(%arg8 : memref<!tpu.dma_semaphore, #tpu.memory_space<semaphore_mem>>) src(%dma_wait3A_370 : memref<1000000x64xf32, #tpu.memory_space<hbm>>) dst(%dma_wait3A_364 : memref<50x64xf32, #tpu.memory_space<vmem>>)
      %scan3A_371 = arith.constant 0 : i32
      %scan3A_372 = arith.constant 0 : i32
      %scan3A_373 = arith.constant 8 : i32
      %scan3A_374 = arith.addi %scan3A_372, %scan3A_373 : i32
      %scan3A_375 = arith.constant 1 : i32
      scf.for %scan3A_513 = %scan3A_372 to %scan3A_374 step %scan3A_375  : i32 {
        %broadcast_in_dim3A = arith.constant 0.000000e+00 : f32
        %broadcast_in_dim3A_514 = vector.broadcast %broadcast_in_dim3A : f32 to vector<16xf32>
        %broadcast_in_dim3A_515 = arith.constant 0.000000e+00 : f32
        %broadcast_in_dim3A_516 = vector.broadcast %broadcast_in_dim3A_515 : f32 to vector<16xf32>
        %broadcast_in_dim3A_517 = arith.constant 0.000000e+00 : f32
        %broadcast_in_dim3A_518 = vector.broadcast %broadcast_in_dim3A_517 : f32 to vector<16xf32>
        %broadcast_in_dim3A_519 = arith.constant 0.000000e+00 : f32
        %broadcast_in_dim3A_520 = vector.broadcast %broadcast_in_dim3A_519 : f32 to vector<16xf32>
        %scan3A_521 = arith.constant 0 : i32
        %scan3A_522 = arith.constant 50 : i32
        %scan3A_523 = arith.addi %scan3A_521, %scan3A_522 : i32
        %scan3A_524 = arith.constant 1 : i32
        %scan3A_525:4 = scf.for %scan3A_570 = %scan3A_521 to %scan3A_523 step %scan3A_524 iter_args(%scan3A_571 = %broadcast_in_dim3A_514, %scan3A_572 = %broadcast_in_dim3A_516, %scan3A_573 = %broadcast_in_dim3A_518, %scan3A_574 = %broadcast_in_dim3A_520) -> (vector<16xf32>, vector<16xf32>, vector<16xf32>, vector<16xf32>)  : i32 {
          %get3A = arith.constant 0 : i32
          %get3A_575 = arith.index_cast %get3A : i32 to index
          %get3A_576 = arith.index_cast %scan3A_513 : i32 to index
          %get3A_577 = arith.index_cast %scan3A_570 : i32 to index
          %get3A_578 = arith.constant 0 : index
          %get3A_579 = tpu.vector_load %arg6[%get3A_575, %get3A_576, %get3A_577, %get3A_578] {strides = array<i32>} : memref<2x8x50x64xf32, #tpu.memory_space<vmem>>, vector<1x1x1x16xf32>,
          %get3A_580 = vector.shape_cast %get3A_579 : vector<1x1x1x16xf32> to vector<16xf32>
          %add3A_581 = arith.addf %scan3A_571, %get3A_580 : vector<16xf32>
          %get3A_582 = arith.constant 0 : i32
          %get3A_583 = arith.index_cast %get3A_582 : i32 to index
          %get3A_584 = arith.index_cast %scan3A_513 : i32 to index
          %get3A_585 = arith.index_cast %scan3A_570 : i32 to index
          %get3A_586 = arith.constant 16 : index
          %get3A_587 = tpu.vector_load %arg6[%get3A_583, %get3A_584, %get3A_585, %get3A_586] {strides = array<i32>} : memref<2x8x50x64xf32, #tpu.memory_space<vmem>>, vector<1x1x1x16xf32>,
          %get3A_588 = vector.shape_cast %get3A_587 : vector<1x1x1x16xf32> to vector<16xf32>
          %add3A_589 = arith.addf %scan3A_572, %get3A_588 : vector<16xf32>
          %get3A_590 = arith.constant 0 : i32
          %get3A_591 = arith.index_cast %get3A_590 : i32 to index
          %get3A_592 = arith.index_cast %scan3A_513 : i32 to index
          %get3A_593 = arith.index_cast %scan3A_570 : i32 to index
          %get3A_594 = arith.constant 32 : index
          %get3A_595 = tpu.vector_load %arg6[%get3A_591, %get3A_592, %get3A_593, %get3A_594] {strides = array<i32>} : memref<2x8x50x64xf32, #tpu.memory_space<vmem>>, vector<1x1x1x16xf32>,
          %get3A_596 = vector.shape_cast %get3A_595 : vector<1x1x1x16xf32> to vector<16xf32>
          %add3A_597 = arith.addf %scan3A_573, %get3A_596 : vector<16xf32>
          %get3A_598 = arith.constant 0 : i32
          %get3A_599 = arith.index_cast %get3A_598 : i32 to index
          %get3A_600 = arith.index_cast %scan3A_513 : i32 to index
          %get3A_601 = arith.index_cast %scan3A_570 : i32 to index
          %get3A_602 = arith.constant 48 : index
          %get3A_603 = tpu.vector_load %arg6[%get3A_599, %get3A_600, %get3A_601, %get3A_602] {strides = array<i32>} : memref<2x8x50x64xf32, #tpu.memory_space<vmem>>, vector<1x1x1x16xf32>,
          %get3A_604 = vector.shape_cast %get3A_603 : vector<1x1x1x16xf32> to vector<16xf32>
          %add3A_605 = arith.addf %scan3A_574, %get3A_604 : vector<16xf32>
          scf.yield %add3A_581, %add3A_589, %add3A_597, %add3A_605 : vector<16xf32>, vector<16xf32>, vector<16xf32>, vector<16xf32>
        }
        %scan3A_526 = arith.constant 50 : i32
        %mul3A_527 = arith.constant 2.000000e-02 : f32
        %mul3A_528 = vector.broadcast %mul3A_527 : f32 to vector<16xf32>
        %mul3A_529 = arith.mulf %scan3A_525#0, %mul3A_528 : vector<16xf32>
        %mul3A_530 = arith.constant 8 : i32
        %mul3A_531 = arith.muli %mul3A_113, %mul3A_530 : i32
        %add3A_532 = arith.addi %mul3A_531, %scan3A_513 : i32
        %swap3A = arith.index_cast %add3A_532 : i32 to index
        %swap3A_533 = arith.constant 0 : index
        %swap3A_534 = tpu.vector_load %arg7[%swap3A, %swap3A_533] {strides = array<i32>} : memref<512x64xf32, #tpu.memory_space<vmem>>, vector<1x16xf32>,
        %swap3A_535 = vector.shape_cast %swap3A_534 : vector<1x16xf32> to vector<16xf32>
        %swap3A_536 = vector.shape_cast %mul3A_529 : vector<16xf32> to vector<1x16xf32>
        tpu.vector_store %arg7[%swap3A, %swap3A_533], %swap3A_536 {strides = array<i32>} : memref<512x64xf32, #tpu.memory_space<vmem>>, vector<1x16xf32>,
        %mul3A_537 = arith.constant 2.000000e-02 : f32
        %mul3A_538 = vector.broadcast %mul3A_537 : f32 to vector<16xf32>
        %mul3A_539 = arith.mulf %scan3A_525#1, %mul3A_538 : vector<16xf32>
        %mul3A_540 = arith.constant 8 : i32
        %mul3A_541 = arith.muli %mul3A_113, %mul3A_540 : i32
        %add3A_542 = arith.addi %mul3A_541, %scan3A_513 : i32
        %swap3A_543 = arith.index_cast %add3A_542 : i32 to index
        %swap3A_544 = arith.constant 16 : index
        %swap3A_545 = tpu.vector_load %arg7[%swap3A_543, %swap3A_544] {strides = array<i32>} : memref<512x64xf32, #tpu.memory_space<vmem>>, vector<1x16xf32>,
        %swap3A_546 = vector.shape_cast %swap3A_545 : vector<1x16xf32> to vector<16xf32>
        %swap3A_547 = vector.shape_cast %mul3A_539 : vector<16xf32> to vector<1x16xf32>
        tpu.vector_store %arg7[%swap3A_543, %swap3A_544], %swap3A_547 {strides = array<i32>} : memref<512x64xf32, #tpu.memory_space<vmem>>, vector<1x16xf32>,
        %mul3A_548 = arith.constant 2.000000e-02 : f32
        %mul3A_549 = vector.broadcast %mul3A_548 : f32 to vector<16xf32>
        %mul3A_550 = arith.mulf %scan3A_525#2, %mul3A_549 : vector<16xf32>
        %mul3A_551 = arith.constant 8 : i32
        %mul3A_552 = arith.muli %mul3A_113, %mul3A_551 : i32
        %add3A_553 = arith.addi %mul3A_552, %scan3A_513 : i32
        %swap3A_554 = arith.index_cast %add3A_553 : i32 to index
        %swap3A_555 = arith.constant 32 : index
        %swap3A_556 = tpu.vector_load %arg7[%swap3A_554, %swap3A_555] {strides = array<i32>} : memref<512x64xf32, #tpu.memory_space<vmem>>, vector<1x16xf32>,
        %swap3A_557 = vector.shape_cast %swap3A_556 : vector<1x16xf32> to vector<16xf32>
        %swap3A_558 = vector.shape_cast %mul3A_550 : vector<16xf32> to vector<1x16xf32>
        tpu.vector_store %arg7[%swap3A_554, %swap3A_555], %swap3A_558 {strides = array<i32>} : memref<512x64xf32, #tpu.memory_space<vmem>>, vector<1x16xf32>,
        %mul3A_559 = arith.constant 2.000000e-02 : f32
        %mul3A_560 = vector.broadcast %mul3A_559 : f32 to vector<16xf32>
        %mul3A_561 = arith.mulf %scan3A_525#3, %mul3A_560 : vector<16xf32>
        %mul3A_562 = arith.constant 8 : i32
        %mul3A_563 = arith.muli %mul3A_113, %mul3A_562 : i32
        %add3A_564 = arith.addi %mul3A_563, %scan3A_513 : i32
        %swap3A_565 = arith.index_cast %add3A_564 : i32 to index
        %swap3A_566 = arith.constant 48 : index
        %swap3A_567 = tpu.vector_load %arg7[%swap3A_565, %swap3A_566] {strides = array<i32>} : memref<512x64xf32, #tpu.memory_space<vmem>>, vector<1x16xf32>,
        %swap3A_568 = vector.shape_cast %swap3A_567 : vector<1x16xf32> to vector<16xf32>
        %swap3A_569 = vector.shape_cast %mul3A_561 : vector<16xf32> to vector<1x16xf32>
        tpu.vector_store %arg7[%swap3A_565, %swap3A_566], %swap3A_569 {strides = array<i32>} : memref<512x64xf32, #tpu.memory_space<vmem>>, vector<1x16xf32>,
      }
      %scan3A_376 = arith.constant 8 : i32
      %lt3A = arith.constant 31 : i32
      %lt3A_377 = arith.cmpi slt, %scan3A_111, %lt3A : i32
      %convert_element_type3A = arith.extui %lt3A_377 : i1 to i32
      %cond3A = arith.constant 0 : i32
      %cond3A_378 = arith.cmpi ne, %convert_element_type3A, %cond3A : i32
      scf.if %cond3A_378 {
        %add3A_513 = arith.constant 2 : i32
        %add3A_514 = arith.addi %mul3A_113, %add3A_513 : i32
        %mul3A_515 = arith.constant 8 : i32
        %mul3A_516 = arith.muli %add3A_514, %mul3A_515 : i32
        %add3A_517 = arith.constant 0 : i32
        %add3A_518 = arith.addi %mul3A_516, %add3A_517 : i32
        %dma_start3A_519 = arith.constant 0 : i32
        %dma_start3A_520 = arith.constant 0 : i32
        %dma_start3A_521 = arith.constant 0 : i32
        %dma_start3A_522 = arith.constant 0 : i32
        %dma_start3A_523 = tpu.memref_slice %arg6[%dma_start3A_519, %dma_start3A_520, %dma_start3A_521, %dma_start3A_522] : memref<2x8x50x64xf32, #tpu.memory_space<vmem>> -> memref<1x1x50x64xf32, #tpu.memory_space<vmem>>
        %dma_start3A_524 = tpu.memref_squeeze %dma_start3A_523 : memref<1x1x50x64xf32, #tpu.memory_space<vmem>> -> memref<50x64xf32, #tpu.memory_space<vmem>>
        %dma_start3A_525 = arith.constant 0 : i32
        %dma_start3A_526 = tpu.memref_slice %arg5[%add3A_518, %dma_start3A_525] : memref<512x50xi32, #tpu.memory_space<vmem>> -> memref<1x50xi32, #tpu.memory_space<vmem>>
        %dma_start3A_527 = tpu.memref_squeeze %dma_start3A_526 : memref<1x50xi32, #tpu.memory_space<vmem>> -> memref<50xi32, #tpu.memory_space<vmem>>
        %dma_start3A_528 = arith.constant 0 : i32
        %dma_start3A_529 = arith.constant 0 : i32
        %dma_start3A_530 = tpu.memref_slice %arg3[%dma_start3A_528, %dma_start3A_529] : memref<1000000x64xf32, #tpu.memory_space<hbm>> -> memref<1000000x64xf32, #tpu.memory_space<hbm>>
        tpu.enqueue_indirect_dma source(%dma_start3A_530 : memref<1000000x64xf32, #tpu.memory_space<hbm>>) target(%dma_start3A_524 : memref<50x64xf32, #tpu.memory_space<vmem>>) offsets(%dma_start3A_527 : memref<50xi32, #tpu.memory_space<vmem>>) semaphore(%arg8 : memref<!tpu.dma_semaphore, #tpu.memory_space<semaphore_mem>>)
        %mul3A_531 = arith.constant 8 : i32
        %mul3A_532 = arith.muli %add3A_514, %mul3A_531 : i32
        %add3A_533 = arith.constant 1 : i32
        %add3A_534 = arith.addi %mul3A_532, %add3A_533 : i32
        %dma_start3A_535 = arith.constant 0 : i32
        %dma_start3A_536 = arith.constant 1 : i32
        %dma_start3A_537 = arith.constant 0 : i32
        %dma_start3A_538 = arith.constant 0 : i32
        %dma_start3A_539 = tpu.memref_slice %arg6[%dma_start3A_535, %dma_start3A_536, %dma_start3A_537, %dma_start3A_538] : memref<2x8x50x64xf32, #tpu.memory_space<vmem>> -> memref<1x1x50x64xf32, #tpu.memory_space<vmem>>
        %dma_start3A_540 = tpu.memref_squeeze %dma_start3A_539 : memref<1x1x50x64xf32, #tpu.memory_space<vmem>> -> memref<50x64xf32, #tpu.memory_space<vmem>>
        %dma_start3A_541 = arith.constant 0 : i32
        %dma_start3A_542 = tpu.memref_slice %arg5[%add3A_534, %dma_start3A_541] : memref<512x50xi32, #tpu.memory_space<vmem>> -> memref<1x50xi32, #tpu.memory_space<vmem>>
        %dma_start3A_543 = tpu.memref_squeeze %dma_start3A_542 : memref<1x50xi32, #tpu.memory_space<vmem>> -> memref<50xi32, #tpu.memory_space<vmem>>
        %dma_start3A_544 = arith.constant 0 : i32
        %dma_start3A_545 = arith.constant 0 : i32
        %dma_start3A_546 = tpu.memref_slice %arg3[%dma_start3A_544, %dma_start3A_545] : memref<1000000x64xf32, #tpu.memory_space<hbm>> -> memref<1000000x64xf32, #tpu.memory_space<hbm>>
        tpu.enqueue_indirect_dma source(%dma_start3A_546 : memref<1000000x64xf32, #tpu.memory_space<hbm>>) target(%dma_start3A_540 : memref<50x64xf32, #tpu.memory_space<vmem>>) offsets(%dma_start3A_543 : memref<50xi32, #tpu.memory_space<vmem>>) semaphore(%arg8 : memref<!tpu.dma_semaphore, #tpu.memory_space<semaphore_mem>>)
        %mul3A_547 = arith.constant 8 : i32
        %mul3A_548 = arith.muli %add3A_514, %mul3A_547 : i32
        %add3A_549 = arith.constant 2 : i32
        %add3A_550 = arith.addi %mul3A_548, %add3A_549 : i32
        %dma_start3A_551 = arith.constant 0 : i32
        %dma_start3A_552 = arith.constant 2 : i32
        %dma_start3A_553 = arith.constant 0 : i32
        %dma_start3A_554 = arith.constant 0 : i32
        %dma_start3A_555 = tpu.memref_slice %arg6[%dma_start3A_551, %dma_start3A_552, %dma_start3A_553, %dma_start3A_554] : memref<2x8x50x64xf32, #tpu.memory_space<vmem>> -> memref<1x1x50x64xf32, #tpu.memory_space<vmem>>
        %dma_start3A_556 = tpu.memref_squeeze %dma_start3A_555 : memref<1x1x50x64xf32, #tpu.memory_space<vmem>> -> memref<50x64xf32, #tpu.memory_space<vmem>>
        %dma_start3A_557 = arith.constant 0 : i32
        %dma_start3A_558 = tpu.memref_slice %arg5[%add3A_550, %dma_start3A_557] : memref<512x50xi32, #tpu.memory_space<vmem>> -> memref<1x50xi32, #tpu.memory_space<vmem>>
        %dma_start3A_559 = tpu.memref_squeeze %dma_start3A_558 : memref<1x50xi32, #tpu.memory_space<vmem>> -> memref<50xi32, #tpu.memory_space<vmem>>
        %dma_start3A_560 = arith.constant 0 : i32
        %dma_start3A_561 = arith.constant 0 : i32
        %dma_start3A_562 = tpu.memref_slice %arg3[%dma_start3A_560, %dma_start3A_561] : memref<1000000x64xf32, #tpu.memory_space<hbm>> -> memref<1000000x64xf32, #tpu.memory_space<hbm>>
        tpu.enqueue_indirect_dma source(%dma_start3A_562 : memref<1000000x64xf32, #tpu.memory_space<hbm>>) target(%dma_start3A_556 : memref<50x64xf32, #tpu.memory_space<vmem>>) offsets(%dma_start3A_559 : memref<50xi32, #tpu.memory_space<vmem>>) semaphore(%arg8 : memref<!tpu.dma_semaphore, #tpu.memory_space<semaphore_mem>>)
        %mul3A_563 = arith.constant 8 : i32
        %mul3A_564 = arith.muli %add3A_514, %mul3A_563 : i32
        %add3A_565 = arith.constant 3 : i32
        %add3A_566 = arith.addi %mul3A_564, %add3A_565 : i32
        %dma_start3A_567 = arith.constant 0 : i32
        %dma_start3A_568 = arith.constant 3 : i32
        %dma_start3A_569 = arith.constant 0 : i32
        %dma_start3A_570 = arith.constant 0 : i32
        %dma_start3A_571 = tpu.memref_slice %arg6[%dma_start3A_567, %dma_start3A_568, %dma_start3A_569, %dma_start3A_570] : memref<2x8x50x64xf32, #tpu.memory_space<vmem>> -> memref<1x1x50x64xf32, #tpu.memory_space<vmem>>
        %dma_start3A_572 = tpu.memref_squeeze %dma_start3A_571 : memref<1x1x50x64xf32, #tpu.memory_space<vmem>> -> memref<50x64xf32, #tpu.memory_space<vmem>>
        %dma_start3A_573 = arith.constant 0 : i32
        %dma_start3A_574 = tpu.memref_slice %arg5[%add3A_566, %dma_start3A_573] : memref<512x50xi32, #tpu.memory_space<vmem>> -> memref<1x50xi32, #tpu.memory_space<vmem>>
        %dma_start3A_575 = tpu.memref_squeeze %dma_start3A_574 : memref<1x50xi32, #tpu.memory_space<vmem>> -> memref<50xi32, #tpu.memory_space<vmem>>
        %dma_start3A_576 = arith.constant 0 : i32
        %dma_start3A_577 = arith.constant 0 : i32
        %dma_start3A_578 = tpu.memref_slice %arg3[%dma_start3A_576, %dma_start3A_577] : memref<1000000x64xf32, #tpu.memory_space<hbm>> -> memref<1000000x64xf32, #tpu.memory_space<hbm>>
        tpu.enqueue_indirect_dma source(%dma_start3A_578 : memref<1000000x64xf32, #tpu.memory_space<hbm>>) target(%dma_start3A_572 : memref<50x64xf32, #tpu.memory_space<vmem>>) offsets(%dma_start3A_575 : memref<50xi32, #tpu.memory_space<vmem>>) semaphore(%arg8 : memref<!tpu.dma_semaphore, #tpu.memory_space<semaphore_mem>>)
        %mul3A_579 = arith.constant 8 : i32
        %mul3A_580 = arith.muli %add3A_514, %mul3A_579 : i32
        %add3A_581 = arith.constant 4 : i32
        %add3A_582 = arith.addi %mul3A_580, %add3A_581 : i32
        %dma_start3A_583 = arith.constant 0 : i32
        %dma_start3A_584 = arith.constant 4 : i32
        %dma_start3A_585 = arith.constant 0 : i32
        %dma_start3A_586 = arith.constant 0 : i32
        %dma_start3A_587 = tpu.memref_slice %arg6[%dma_start3A_583, %dma_start3A_584, %dma_start3A_585, %dma_start3A_586] : memref<2x8x50x64xf32, #tpu.memory_space<vmem>> -> memref<1x1x50x64xf32, #tpu.memory_space<vmem>>
        %dma_start3A_588 = tpu.memref_squeeze %dma_start3A_587 : memref<1x1x50x64xf32, #tpu.memory_space<vmem>> -> memref<50x64xf32, #tpu.memory_space<vmem>>
        %dma_start3A_589 = arith.constant 0 : i32
        %dma_start3A_590 = tpu.memref_slice %arg5[%add3A_582, %dma_start3A_589] : memref<512x50xi32, #tpu.memory_space<vmem>> -> memref<1x50xi32, #tpu.memory_space<vmem>>
        %dma_start3A_591 = tpu.memref_squeeze %dma_start3A_590 : memref<1x50xi32, #tpu.memory_space<vmem>> -> memref<50xi32, #tpu.memory_space<vmem>>
        %dma_start3A_592 = arith.constant 0 : i32
        %dma_start3A_593 = arith.constant 0 : i32
        %dma_start3A_594 = tpu.memref_slice %arg3[%dma_start3A_592, %dma_start3A_593] : memref<1000000x64xf32, #tpu.memory_space<hbm>> -> memref<1000000x64xf32, #tpu.memory_space<hbm>>
        tpu.enqueue_indirect_dma source(%dma_start3A_594 : memref<1000000x64xf32, #tpu.memory_space<hbm>>) target(%dma_start3A_588 : memref<50x64xf32, #tpu.memory_space<vmem>>) offsets(%dma_start3A_591 : memref<50xi32, #tpu.memory_space<vmem>>) semaphore(%arg8 : memref<!tpu.dma_semaphore, #tpu.memory_space<semaphore_mem>>)
        %mul3A_595 = arith.constant 8 : i32
        %mul3A_596 = arith.muli %add3A_514, %mul3A_595 : i32
        %add3A_597 = arith.constant 5 : i32
        %add3A_598 = arith.addi %mul3A_596, %add3A_597 : i32
        %dma_start3A_599 = arith.constant 0 : i32
        %dma_start3A_600 = arith.constant 5 : i32
        %dma_start3A_601 = arith.constant 0 : i32
        %dma_start3A_602 = arith.constant 0 : i32
        %dma_start3A_603 = tpu.memref_slice %arg6[%dma_start3A_599, %dma_start3A_600, %dma_start3A_601, %dma_start3A_602] : memref<2x8x50x64xf32, #tpu.memory_space<vmem>> -> memref<1x1x50x64xf32, #tpu.memory_space<vmem>>
        %dma_start3A_604 = tpu.memref_squeeze %dma_start3A_603 : memref<1x1x50x64xf32, #tpu.memory_space<vmem>> -> memref<50x64xf32, #tpu.memory_space<vmem>>
        %dma_start3A_605 = arith.constant 0 : i32
        %dma_start3A_606 = tpu.memref_slice %arg5[%add3A_598, %dma_start3A_605] : memref<512x50xi32, #tpu.memory_space<vmem>> -> memref<1x50xi32, #tpu.memory_space<vmem>>
        %dma_start3A_607 = tpu.memref_squeeze %dma_start3A_606 : memref<1x50xi32, #tpu.memory_space<vmem>> -> memref<50xi32, #tpu.memory_space<vmem>>
        %dma_start3A_608 = arith.constant 0 : i32
        %dma_start3A_609 = arith.constant 0 : i32
        %dma_start3A_610 = tpu.memref_slice %arg3[%dma_start3A_608, %dma_start3A_609] : memref<1000000x64xf32, #tpu.memory_space<hbm>> -> memref<1000000x64xf32, #tpu.memory_space<hbm>>
        tpu.enqueue_indirect_dma source(%dma_start3A_610 : memref<1000000x64xf32, #tpu.memory_space<hbm>>) target(%dma_start3A_604 : memref<50x64xf32, #tpu.memory_space<vmem>>) offsets(%dma_start3A_607 : memref<50xi32, #tpu.memory_space<vmem>>) semaphore(%arg8 : memref<!tpu.dma_semaphore, #tpu.memory_space<semaphore_mem>>)
        %mul3A_611 = arith.constant 8 : i32
        %mul3A_612 = arith.muli %add3A_514, %mul3A_611 : i32
        %add3A_613 = arith.constant 6 : i32
        %add3A_614 = arith.addi %mul3A_612, %add3A_613 : i32
        %dma_start3A_615 = arith.constant 0 : i32
        %dma_start3A_616 = arith.constant 6 : i32
        %dma_start3A_617 = arith.constant 0 : i32
        %dma_start3A_618 = arith.constant 0 : i32
        %dma_start3A_619 = tpu.memref_slice %arg6[%dma_start3A_615, %dma_start3A_616, %dma_start3A_617, %dma_start3A_618] : memref<2x8x50x64xf32, #tpu.memory_space<vmem>> -> memref<1x1x50x64xf32, #tpu.memory_space<vmem>>
        %dma_start3A_620 = tpu.memref_squeeze %dma_start3A_619 : memref<1x1x50x64xf32, #tpu.memory_space<vmem>> -> memref<50x64xf32, #tpu.memory_space<vmem>>
        %dma_start3A_621 = arith.constant 0 : i32
        %dma_start3A_622 = tpu.memref_slice %arg5[%add3A_614, %dma_start3A_621] : memref<512x50xi32, #tpu.memory_space<vmem>> -> memref<1x50xi32, #tpu.memory_space<vmem>>
        %dma_start3A_623 = tpu.memref_squeeze %dma_start3A_622 : memref<1x50xi32, #tpu.memory_space<vmem>> -> memref<50xi32, #tpu.memory_space<vmem>>
        %dma_start3A_624 = arith.constant 0 : i32
        %dma_start3A_625 = arith.constant 0 : i32
        %dma_start3A_626 = tpu.memref_slice %arg3[%dma_start3A_624, %dma_start3A_625] : memref<1000000x64xf32, #tpu.memory_space<hbm>> -> memref<1000000x64xf32, #tpu.memory_space<hbm>>
        tpu.enqueue_indirect_dma source(%dma_start3A_626 : memref<1000000x64xf32, #tpu.memory_space<hbm>>) target(%dma_start3A_620 : memref<50x64xf32, #tpu.memory_space<vmem>>) offsets(%dma_start3A_623 : memref<50xi32, #tpu.memory_space<vmem>>) semaphore(%arg8 : memref<!tpu.dma_semaphore, #tpu.memory_space<semaphore_mem>>)
        %mul3A_627 = arith.constant 8 : i32
        %mul3A_628 = arith.muli %add3A_514, %mul3A_627 : i32
        %add3A_629 = arith.constant 7 : i32
        %add3A_630 = arith.addi %mul3A_628, %add3A_629 : i32
        %dma_start3A_631 = arith.constant 0 : i32
        %dma_start3A_632 = arith.constant 7 : i32
        %dma_start3A_633 = arith.constant 0 : i32
        %dma_start3A_634 = arith.constant 0 : i32
        %dma_start3A_635 = tpu.memref_slice %arg6[%dma_start3A_631, %dma_start3A_632, %dma_start3A_633, %dma_start3A_634] : memref<2x8x50x64xf32, #tpu.memory_space<vmem>> -> memref<1x1x50x64xf32, #tpu.memory_space<vmem>>
        %dma_start3A_636 = tpu.memref_squeeze %dma_start3A_635 : memref<1x1x50x64xf32, #tpu.memory_space<vmem>> -> memref<50x64xf32, #tpu.memory_space<vmem>>
        %dma_start3A_637 = arith.constant 0 : i32
        %dma_start3A_638 = tpu.memref_slice %arg5[%add3A_630, %dma_start3A_637] : memref<512x50xi32, #tpu.memory_space<vmem>> -> memref<1x50xi32, #tpu.memory_space<vmem>>
        %dma_start3A_639 = tpu.memref_squeeze %dma_start3A_638 : memref<1x50xi32, #tpu.memory_space<vmem>> -> memref<50xi32, #tpu.memory_space<vmem>>
        %dma_start3A_640 = arith.constant 0 : i32
        %dma_start3A_641 = arith.constant 0 : i32
        %dma_start3A_642 = tpu.memref_slice %arg3[%dma_start3A_640, %dma_start3A_641] : memref<1000000x64xf32, #tpu.memory_space<hbm>> -> memref<1000000x64xf32, #tpu.memory_space<hbm>>
        tpu.enqueue_indirect_dma source(%dma_start3A_642 : memref<1000000x64xf32, #tpu.memory_space<hbm>>) target(%dma_start3A_636 : memref<50x64xf32, #tpu.memory_space<vmem>>) offsets(%dma_start3A_639 : memref<50xi32, #tpu.memory_space<vmem>>) semaphore(%arg8 : memref<!tpu.dma_semaphore, #tpu.memory_space<semaphore_mem>>)
      } else {
      }
      %mul3A_379 = arith.constant 8 : i32
      %mul3A_380 = arith.muli %add3A_115, %mul3A_379 : i32
      %add3A_381 = arith.constant 0 : i32
      %add3A_382 = arith.addi %mul3A_380, %add3A_381 : i32
      %dma_wait3A_383 = arith.constant 1 : i32
      %dma_wait3A_384 = arith.constant 0 : i32
      %dma_wait3A_385 = arith.constant 0 : i32
      %dma_wait3A_386 = arith.constant 0 : i32
      %dma_wait3A_387 = tpu.memref_slice %arg6[%dma_wait3A_383, %dma_wait3A_384, %dma_wait3A_385, %dma_wait3A_386] : memref<2x8x50x64xf32, #tpu.memory_space<vmem>> -> memref<1x1x50x64xf32, #tpu.memory_space<vmem>>
      %dma_wait3A_388 = tpu.memref_squeeze %dma_wait3A_387 : memref<1x1x50x64xf32, #tpu.memory_space<vmem>> -> memref<50x64xf32, #tpu.memory_space<vmem>>
      %dma_wait3A_389 = arith.constant 0 : i32
      %dma_wait3A_390 = tpu.memref_slice %arg5[%add3A_382, %dma_wait3A_389] : memref<512x50xi32, #tpu.memory_space<vmem>> -> memref<1x50xi32, #tpu.memory_space<vmem>>
      %dma_wait3A_391 = tpu.memref_squeeze %dma_wait3A_390 : memref<1x50xi32, #tpu.memory_space<vmem>> -> memref<50xi32, #tpu.memory_space<vmem>>
      %dma_wait3A_392 = arith.constant 0 : i32
      %dma_wait3A_393 = arith.constant 0 : i32
      %dma_wait3A_394 = tpu.memref_slice %arg3[%dma_wait3A_392, %dma_wait3A_393] : memref<1000000x64xf32, #tpu.memory_space<hbm>> -> memref<1000000x64xf32, #tpu.memory_space<hbm>>
      tpu.wait_indirect_dma semaphore(%arg9 : memref<!tpu.dma_semaphore, #tpu.memory_space<semaphore_mem>>) src(%dma_wait3A_394 : memref<1000000x64xf32, #tpu.memory_space<hbm>>) dst(%dma_wait3A_388 : memref<50x64xf32, #tpu.memory_space<vmem>>)
      %mul3A_395 = arith.constant 8 : i32
      %mul3A_396 = arith.muli %add3A_115, %mul3A_395 : i32
      %add3A_397 = arith.constant 1 : i32
      %add3A_398 = arith.addi %mul3A_396, %add3A_397 : i32
      %dma_wait3A_399 = arith.constant 1 : i32
      %dma_wait3A_400 = arith.constant 1 : i32
      %dma_wait3A_401 = arith.constant 0 : i32
      %dma_wait3A_402 = arith.constant 0 : i32
      %dma_wait3A_403 = tpu.memref_slice %arg6[%dma_wait3A_399, %dma_wait3A_400, %dma_wait3A_401, %dma_wait3A_402] : memref<2x8x50x64xf32, #tpu.memory_space<vmem>> -> memref<1x1x50x64xf32, #tpu.memory_space<vmem>>
      %dma_wait3A_404 = tpu.memref_squeeze %dma_wait3A_403 : memref<1x1x50x64xf32, #tpu.memory_space<vmem>> -> memref<50x64xf32, #tpu.memory_space<vmem>>
      %dma_wait3A_405 = arith.constant 0 : i32
      %dma_wait3A_406 = tpu.memref_slice %arg5[%add3A_398, %dma_wait3A_405] : memref<512x50xi32, #tpu.memory_space<vmem>> -> memref<1x50xi32, #tpu.memory_space<vmem>>
      %dma_wait3A_407 = tpu.memref_squeeze %dma_wait3A_406 : memref<1x50xi32, #tpu.memory_space<vmem>> -> memref<50xi32, #tpu.memory_space<vmem>>
      %dma_wait3A_408 = arith.constant 0 : i32
      %dma_wait3A_409 = arith.constant 0 : i32
      %dma_wait3A_410 = tpu.memref_slice %arg3[%dma_wait3A_408, %dma_wait3A_409] : memref<1000000x64xf32, #tpu.memory_space<hbm>> -> memref<1000000x64xf32, #tpu.memory_space<hbm>>
      tpu.wait_indirect_dma semaphore(%arg9 : memref<!tpu.dma_semaphore, #tpu.memory_space<semaphore_mem>>) src(%dma_wait3A_410 : memref<1000000x64xf32, #tpu.memory_space<hbm>>) dst(%dma_wait3A_404 : memref<50x64xf32, #tpu.memory_space<vmem>>)
      %mul3A_411 = arith.constant 8 : i32
      %mul3A_412 = arith.muli %add3A_115, %mul3A_411 : i32
      %add3A_413 = arith.constant 2 : i32
      %add3A_414 = arith.addi %mul3A_412, %add3A_413 : i32
      %dma_wait3A_415 = arith.constant 1 : i32
      %dma_wait3A_416 = arith.constant 2 : i32
      %dma_wait3A_417 = arith.constant 0 : i32
      %dma_wait3A_418 = arith.constant 0 : i32
      %dma_wait3A_419 = tpu.memref_slice %arg6[%dma_wait3A_415, %dma_wait3A_416, %dma_wait3A_417, %dma_wait3A_418] : memref<2x8x50x64xf32, #tpu.memory_space<vmem>> -> memref<1x1x50x64xf32, #tpu.memory_space<vmem>>
      %dma_wait3A_420 = tpu.memref_squeeze %dma_wait3A_419 : memref<1x1x50x64xf32, #tpu.memory_space<vmem>> -> memref<50x64xf32, #tpu.memory_space<vmem>>
      %dma_wait3A_421 = arith.constant 0 : i32
      %dma_wait3A_422 = tpu.memref_slice %arg5[%add3A_414, %dma_wait3A_421] : memref<512x50xi32, #tpu.memory_space<vmem>> -> memref<1x50xi32, #tpu.memory_space<vmem>>
      %dma_wait3A_423 = tpu.memref_squeeze %dma_wait3A_422 : memref<1x50xi32, #tpu.memory_space<vmem>> -> memref<50xi32, #tpu.memory_space<vmem>>
      %dma_wait3A_424 = arith.constant 0 : i32
      %dma_wait3A_425 = arith.constant 0 : i32
      %dma_wait3A_426 = tpu.memref_slice %arg3[%dma_wait3A_424, %dma_wait3A_425] : memref<1000000x64xf32, #tpu.memory_space<hbm>> -> memref<1000000x64xf32, #tpu.memory_space<hbm>>
      tpu.wait_indirect_dma semaphore(%arg9 : memref<!tpu.dma_semaphore, #tpu.memory_space<semaphore_mem>>) src(%dma_wait3A_426 : memref<1000000x64xf32, #tpu.memory_space<hbm>>) dst(%dma_wait3A_420 : memref<50x64xf32, #tpu.memory_space<vmem>>)
      %mul3A_427 = arith.constant 8 : i32
      %mul3A_428 = arith.muli %add3A_115, %mul3A_427 : i32
      %add3A_429 = arith.constant 3 : i32
      %add3A_430 = arith.addi %mul3A_428, %add3A_429 : i32
      %dma_wait3A_431 = arith.constant 1 : i32
      %dma_wait3A_432 = arith.constant 3 : i32
      %dma_wait3A_433 = arith.constant 0 : i32
      %dma_wait3A_434 = arith.constant 0 : i32
      %dma_wait3A_435 = tpu.memref_slice %arg6[%dma_wait3A_431, %dma_wait3A_432, %dma_wait3A_433, %dma_wait3A_434] : memref<2x8x50x64xf32, #tpu.memory_space<vmem>> -> memref<1x1x50x64xf32, #tpu.memory_space<vmem>>
      %dma_wait3A_436 = tpu.memref_squeeze %dma_wait3A_435 : memref<1x1x50x64xf32, #tpu.memory_space<vmem>> -> memref<50x64xf32, #tpu.memory_space<vmem>>
      %dma_wait3A_437 = arith.constant 0 : i32
      %dma_wait3A_438 = tpu.memref_slice %arg5[%add3A_430, %dma_wait3A_437] : memref<512x50xi32, #tpu.memory_space<vmem>> -> memref<1x50xi32, #tpu.memory_space<vmem>>
      %dma_wait3A_439 = tpu.memref_squeeze %dma_wait3A_438 : memref<1x50xi32, #tpu.memory_space<vmem>> -> memref<50xi32, #tpu.memory_space<vmem>>
      %dma_wait3A_440 = arith.constant 0 : i32
      %dma_wait3A_441 = arith.constant 0 : i32
      %dma_wait3A_442 = tpu.memref_slice %arg3[%dma_wait3A_440, %dma_wait3A_441] : memref<1000000x64xf32, #tpu.memory_space<hbm>> -> memref<1000000x64xf32, #tpu.memory_space<hbm>>
      tpu.wait_indirect_dma semaphore(%arg9 : memref<!tpu.dma_semaphore, #tpu.memory_space<semaphore_mem>>) src(%dma_wait3A_442 : memref<1000000x64xf32, #tpu.memory_space<hbm>>) dst(%dma_wait3A_436 : memref<50x64xf32, #tpu.memory_space<vmem>>)
      %mul3A_443 = arith.constant 8 : i32
      %mul3A_444 = arith.muli %add3A_115, %mul3A_443 : i32
      %add3A_445 = arith.constant 4 : i32
      %add3A_446 = arith.addi %mul3A_444, %add3A_445 : i32
      %dma_wait3A_447 = arith.constant 1 : i32
      %dma_wait3A_448 = arith.constant 4 : i32
      %dma_wait3A_449 = arith.constant 0 : i32
      %dma_wait3A_450 = arith.constant 0 : i32
      %dma_wait3A_451 = tpu.memref_slice %arg6[%dma_wait3A_447, %dma_wait3A_448, %dma_wait3A_449, %dma_wait3A_450] : memref<2x8x50x64xf32, #tpu.memory_space<vmem>> -> memref<1x1x50x64xf32, #tpu.memory_space<vmem>>
      %dma_wait3A_452 = tpu.memref_squeeze %dma_wait3A_451 : memref<1x1x50x64xf32, #tpu.memory_space<vmem>> -> memref<50x64xf32, #tpu.memory_space<vmem>>
      %dma_wait3A_453 = arith.constant 0 : i32
      %dma_wait3A_454 = tpu.memref_slice %arg5[%add3A_446, %dma_wait3A_453] : memref<512x50xi32, #tpu.memory_space<vmem>> -> memref<1x50xi32, #tpu.memory_space<vmem>>
      %dma_wait3A_455 = tpu.memref_squeeze %dma_wait3A_454 : memref<1x50xi32, #tpu.memory_space<vmem>> -> memref<50xi32, #tpu.memory_space<vmem>>
      %dma_wait3A_456 = arith.constant 0 : i32
      %dma_wait3A_457 = arith.constant 0 : i32
      %dma_wait3A_458 = tpu.memref_slice %arg3[%dma_wait3A_456, %dma_wait3A_457] : memref<1000000x64xf32, #tpu.memory_space<hbm>> -> memref<1000000x64xf32, #tpu.memory_space<hbm>>
      tpu.wait_indirect_dma semaphore(%arg9 : memref<!tpu.dma_semaphore, #tpu.memory_space<semaphore_mem>>) src(%dma_wait3A_458 : memref<1000000x64xf32, #tpu.memory_space<hbm>>) dst(%dma_wait3A_452 : memref<50x64xf32, #tpu.memory_space<vmem>>)
      %mul3A_459 = arith.constant 8 : i32
      %mul3A_460 = arith.muli %add3A_115, %mul3A_459 : i32
      %add3A_461 = arith.constant 5 : i32
      %add3A_462 = arith.addi %mul3A_460, %add3A_461 : i32
      %dma_wait3A_463 = arith.constant 1 : i32
      %dma_wait3A_464 = arith.constant 5 : i32
      %dma_wait3A_465 = arith.constant 0 : i32
      %dma_wait3A_466 = arith.constant 0 : i32
      %dma_wait3A_467 = tpu.memref_slice %arg6[%dma_wait3A_463, %dma_wait3A_464, %dma_wait3A_465, %dma_wait3A_466] : memref<2x8x50x64xf32, #tpu.memory_space<vmem>> -> memref<1x1x50x64xf32, #tpu.memory_space<vmem>>
      %dma_wait3A_468 = tpu.memref_squeeze %dma_wait3A_467 : memref<1x1x50x64xf32, #tpu.memory_space<vmem>> -> memref<50x64xf32, #tpu.memory_space<vmem>>
      %dma_wait3A_469 = arith.constant 0 : i32
      %dma_wait3A_470 = tpu.memref_slice %arg5[%add3A_462, %dma_wait3A_469] : memref<512x50xi32, #tpu.memory_space<vmem>> -> memref<1x50xi32, #tpu.memory_space<vmem>>
      %dma_wait3A_471 = tpu.memref_squeeze %dma_wait3A_470 : memref<1x50xi32, #tpu.memory_space<vmem>> -> memref<50xi32, #tpu.memory_space<vmem>>
      %dma_wait3A_472 = arith.constant 0 : i32
      %dma_wait3A_473 = arith.constant 0 : i32
      %dma_wait3A_474 = tpu.memref_slice %arg3[%dma_wait3A_472, %dma_wait3A_473] : memref<1000000x64xf32, #tpu.memory_space<hbm>> -> memref<1000000x64xf32, #tpu.memory_space<hbm>>
      tpu.wait_indirect_dma semaphore(%arg9 : memref<!tpu.dma_semaphore, #tpu.memory_space<semaphore_mem>>) src(%dma_wait3A_474 : memref<1000000x64xf32, #tpu.memory_space<hbm>>) dst(%dma_wait3A_468 : memref<50x64xf32, #tpu.memory_space<vmem>>)
      %mul3A_475 = arith.constant 8 : i32
      %mul3A_476 = arith.muli %add3A_115, %mul3A_475 : i32
      %add3A_477 = arith.constant 6 : i32
      %add3A_478 = arith.addi %mul3A_476, %add3A_477 : i32
      %dma_wait3A_479 = arith.constant 1 : i32
      %dma_wait3A_480 = arith.constant 6 : i32
      %dma_wait3A_481 = arith.constant 0 : i32
      %dma_wait3A_482 = arith.constant 0 : i32
      %dma_wait3A_483 = tpu.memref_slice %arg6[%dma_wait3A_479, %dma_wait3A_480, %dma_wait3A_481, %dma_wait3A_482] : memref<2x8x50x64xf32, #tpu.memory_space<vmem>> -> memref<1x1x50x64xf32, #tpu.memory_space<vmem>>
      %dma_wait3A_484 = tpu.memref_squeeze %dma_wait3A_483 : memref<1x1x50x64xf32, #tpu.memory_space<vmem>> -> memref<50x64xf32, #tpu.memory_space<vmem>>
      %dma_wait3A_485 = arith.constant 0 : i32
      %dma_wait3A_486 = tpu.memref_slice %arg5[%add3A_478, %dma_wait3A_485] : memref<512x50xi32, #tpu.memory_space<vmem>> -> memref<1x50xi32, #tpu.memory_space<vmem>>
      %dma_wait3A_487 = tpu.memref_squeeze %dma_wait3A_486 : memref<1x50xi32, #tpu.memory_space<vmem>> -> memref<50xi32, #tpu.memory_space<vmem>>
      %dma_wait3A_488 = arith.constant 0 : i32
      %dma_wait3A_489 = arith.constant 0 : i32
      %dma_wait3A_490 = tpu.memref_slice %arg3[%dma_wait3A_488, %dma_wait3A_489] : memref<1000000x64xf32, #tpu.memory_space<hbm>> -> memref<1000000x64xf32, #tpu.memory_space<hbm>>
      tpu.wait_indirect_dma semaphore(%arg9 : memref<!tpu.dma_semaphore, #tpu.memory_space<semaphore_mem>>) src(%dma_wait3A_490 : memref<1000000x64xf32, #tpu.memory_space<hbm>>) dst(%dma_wait3A_484 : memref<50x64xf32, #tpu.memory_space<vmem>>)
      %mul3A_491 = arith.constant 8 : i32
      %mul3A_492 = arith.muli %add3A_115, %mul3A_491 : i32
      %add3A_493 = arith.constant 7 : i32
      %add3A_494 = arith.addi %mul3A_492, %add3A_493 : i32
      %dma_wait3A_495 = arith.constant 1 : i32
      %dma_wait3A_496 = arith.constant 7 : i32
      %dma_wait3A_497 = arith.constant 0 : i32
      %dma_wait3A_498 = arith.constant 0 : i32
      %dma_wait3A_499 = tpu.memref_slice %arg6[%dma_wait3A_495, %dma_wait3A_496, %dma_wait3A_497, %dma_wait3A_498] : memref<2x8x50x64xf32, #tpu.memory_space<vmem>> -> memref<1x1x50x64xf32, #tpu.memory_space<vmem>>
      %dma_wait3A_500 = tpu.memref_squeeze %dma_wait3A_499 : memref<1x1x50x64xf32, #tpu.memory_space<vmem>> -> memref<50x64xf32, #tpu.memory_space<vmem>>
      %dma_wait3A_501 = arith.constant 0 : i32
      %dma_wait3A_502 = tpu.memref_slice %arg5[%add3A_494, %dma_wait3A_501] : memref<512x50xi32, #tpu.memory_space<vmem>> -> memref<1x50xi32, #tpu.memory_space<vmem>>
      %dma_wait3A_503 = tpu.memref_squeeze %dma_wait3A_502 : memref<1x50xi32, #tpu.memory_space<vmem>> -> memref<50xi32, #tpu.memory_space<vmem>>
      %dma_wait3A_504 = arith.constant 0 : i32
      %dma_wait3A_505 = arith.constant 0 : i32
      %dma_wait3A_506 = tpu.memref_slice %arg3[%dma_wait3A_504, %dma_wait3A_505] : memref<1000000x64xf32, #tpu.memory_space<hbm>> -> memref<1000000x64xf32, #tpu.memory_space<hbm>>
      tpu.wait_indirect_dma semaphore(%arg9 : memref<!tpu.dma_semaphore, #tpu.memory_space<semaphore_mem>>) src(%dma_wait3A_506 : memref<1000000x64xf32, #tpu.memory_space<hbm>>) dst(%dma_wait3A_500 : memref<50x64xf32, #tpu.memory_space<vmem>>)
      %scan3A_507 = arith.constant 0 : i32
      %scan3A_508 = arith.constant 0 : i32
      %scan3A_509 = arith.constant 8 : i32
      %scan3A_510 = arith.addi %scan3A_508, %scan3A_509 : i32
      %scan3A_511 = arith.constant 1 : i32
      scf.for %scan3A_513 = %scan3A_508 to %scan3A_510 step %scan3A_511  : i32 {
        %broadcast_in_dim3A = arith.constant 0.000000e+00 : f32
        %broadcast_in_dim3A_514 = vector.broadcast %broadcast_in_dim3A : f32 to vector<16xf32>
        %broadcast_in_dim3A_515 = arith.constant 0.000000e+00 : f32
        %broadcast_in_dim3A_516 = vector.broadcast %broadcast_in_dim3A_515 : f32 to vector<16xf32>
        %broadcast_in_dim3A_517 = arith.constant 0.000000e+00 : f32
        %broadcast_in_dim3A_518 = vector.broadcast %broadcast_in_dim3A_517 : f32 to vector<16xf32>
        %broadcast_in_dim3A_519 = arith.constant 0.000000e+00 : f32
        %broadcast_in_dim3A_520 = vector.broadcast %broadcast_in_dim3A_519 : f32 to vector<16xf32>
        %scan3A_521 = arith.constant 0 : i32
        %scan3A_522 = arith.constant 50 : i32
        %scan3A_523 = arith.addi %scan3A_521, %scan3A_522 : i32
        %scan3A_524 = arith.constant 1 : i32
        %scan3A_525:4 = scf.for %scan3A_570 = %scan3A_521 to %scan3A_523 step %scan3A_524 iter_args(%scan3A_571 = %broadcast_in_dim3A_514, %scan3A_572 = %broadcast_in_dim3A_516, %scan3A_573 = %broadcast_in_dim3A_518, %scan3A_574 = %broadcast_in_dim3A_520) -> (vector<16xf32>, vector<16xf32>, vector<16xf32>, vector<16xf32>)  : i32 {
          %get3A = arith.constant 1 : i32
          %get3A_575 = arith.index_cast %get3A : i32 to index
          %get3A_576 = arith.index_cast %scan3A_513 : i32 to index
          %get3A_577 = arith.index_cast %scan3A_570 : i32 to index
          %get3A_578 = arith.constant 0 : index
          %get3A_579 = tpu.vector_load %arg6[%get3A_575, %get3A_576, %get3A_577, %get3A_578] {strides = array<i32>} : memref<2x8x50x64xf32, #tpu.memory_space<vmem>>, vector<1x1x1x16xf32>,
          %get3A_580 = vector.shape_cast %get3A_579 : vector<1x1x1x16xf32> to vector<16xf32>
          %add3A_581 = arith.addf %scan3A_571, %get3A_580 : vector<16xf32>
          %get3A_582 = arith.constant 1 : i32
          %get3A_583 = arith.index_cast %get3A_582 : i32 to index
          %get3A_584 = arith.index_cast %scan3A_513 : i32 to index
          %get3A_585 = arith.index_cast %scan3A_570 : i32 to index
          %get3A_586 = arith.constant 16 : index
          %get3A_587 = tpu.vector_load %arg6[%get3A_583, %get3A_584, %get3A_585, %get3A_586] {strides = array<i32>} : memref<2x8x50x64xf32, #tpu.memory_space<vmem>>, vector<1x1x1x16xf32>,
          %get3A_588 = vector.shape_cast %get3A_587 : vector<1x1x1x16xf32> to vector<16xf32>
          %add3A_589 = arith.addf %scan3A_572, %get3A_588 : vector<16xf32>
          %get3A_590 = arith.constant 1 : i32
          %get3A_591 = arith.index_cast %get3A_590 : i32 to index
          %get3A_592 = arith.index_cast %scan3A_513 : i32 to index
          %get3A_593 = arith.index_cast %scan3A_570 : i32 to index
          %get3A_594 = arith.constant 32 : index
          %get3A_595 = tpu.vector_load %arg6[%get3A_591, %get3A_592, %get3A_593, %get3A_594] {strides = array<i32>} : memref<2x8x50x64xf32, #tpu.memory_space<vmem>>, vector<1x1x1x16xf32>,
          %get3A_596 = vector.shape_cast %get3A_595 : vector<1x1x1x16xf32> to vector<16xf32>
          %add3A_597 = arith.addf %scan3A_573, %get3A_596 : vector<16xf32>
          %get3A_598 = arith.constant 1 : i32
          %get3A_599 = arith.index_cast %get3A_598 : i32 to index
          %get3A_600 = arith.index_cast %scan3A_513 : i32 to index
          %get3A_601 = arith.index_cast %scan3A_570 : i32 to index
          %get3A_602 = arith.constant 48 : index
          %get3A_603 = tpu.vector_load %arg6[%get3A_599, %get3A_600, %get3A_601, %get3A_602] {strides = array<i32>} : memref<2x8x50x64xf32, #tpu.memory_space<vmem>>, vector<1x1x1x16xf32>,
          %get3A_604 = vector.shape_cast %get3A_603 : vector<1x1x1x16xf32> to vector<16xf32>
          %add3A_605 = arith.addf %scan3A_574, %get3A_604 : vector<16xf32>
          scf.yield %add3A_581, %add3A_589, %add3A_597, %add3A_605 : vector<16xf32>, vector<16xf32>, vector<16xf32>, vector<16xf32>
        }
        %scan3A_526 = arith.constant 50 : i32
        %mul3A_527 = arith.constant 2.000000e-02 : f32
        %mul3A_528 = vector.broadcast %mul3A_527 : f32 to vector<16xf32>
        %mul3A_529 = arith.mulf %scan3A_525#0, %mul3A_528 : vector<16xf32>
        %mul3A_530 = arith.constant 8 : i32
        %mul3A_531 = arith.muli %add3A_115, %mul3A_530 : i32
        %add3A_532 = arith.addi %mul3A_531, %scan3A_513 : i32
        %swap3A = arith.index_cast %add3A_532 : i32 to index
        %swap3A_533 = arith.constant 0 : index
        %swap3A_534 = tpu.vector_load %arg7[%swap3A, %swap3A_533] {strides = array<i32>} : memref<512x64xf32, #tpu.memory_space<vmem>>, vector<1x16xf32>,
        %swap3A_535 = vector.shape_cast %swap3A_534 : vector<1x16xf32> to vector<16xf32>
        %swap3A_536 = vector.shape_cast %mul3A_529 : vector<16xf32> to vector<1x16xf32>
        tpu.vector_store %arg7[%swap3A, %swap3A_533], %swap3A_536 {strides = array<i32>} : memref<512x64xf32, #tpu.memory_space<vmem>>, vector<1x16xf32>,
        %mul3A_537 = arith.constant 2.000000e-02 : f32
        %mul3A_538 = vector.broadcast %mul3A_537 : f32 to vector<16xf32>
        %mul3A_539 = arith.mulf %scan3A_525#1, %mul3A_538 : vector<16xf32>
        %mul3A_540 = arith.constant 8 : i32
        %mul3A_541 = arith.muli %add3A_115, %mul3A_540 : i32
        %add3A_542 = arith.addi %mul3A_541, %scan3A_513 : i32
        %swap3A_543 = arith.index_cast %add3A_542 : i32 to index
        %swap3A_544 = arith.constant 16 : index
        %swap3A_545 = tpu.vector_load %arg7[%swap3A_543, %swap3A_544] {strides = array<i32>} : memref<512x64xf32, #tpu.memory_space<vmem>>, vector<1x16xf32>,
        %swap3A_546 = vector.shape_cast %swap3A_545 : vector<1x16xf32> to vector<16xf32>
        %swap3A_547 = vector.shape_cast %mul3A_539 : vector<16xf32> to vector<1x16xf32>
        tpu.vector_store %arg7[%swap3A_543, %swap3A_544], %swap3A_547 {strides = array<i32>} : memref<512x64xf32, #tpu.memory_space<vmem>>, vector<1x16xf32>,
        %mul3A_548 = arith.constant 2.000000e-02 : f32
        %mul3A_549 = vector.broadcast %mul3A_548 : f32 to vector<16xf32>
        %mul3A_550 = arith.mulf %scan3A_525#2, %mul3A_549 : vector<16xf32>
        %mul3A_551 = arith.constant 8 : i32
        %mul3A_552 = arith.muli %add3A_115, %mul3A_551 : i32
        %add3A_553 = arith.addi %mul3A_552, %scan3A_513 : i32
        %swap3A_554 = arith.index_cast %add3A_553 : i32 to index
        %swap3A_555 = arith.constant 32 : index
        %swap3A_556 = tpu.vector_load %arg7[%swap3A_554, %swap3A_555] {strides = array<i32>} : memref<512x64xf32, #tpu.memory_space<vmem>>, vector<1x16xf32>,
        %swap3A_557 = vector.shape_cast %swap3A_556 : vector<1x16xf32> to vector<16xf32>
        %swap3A_558 = vector.shape_cast %mul3A_550 : vector<16xf32> to vector<1x16xf32>
        tpu.vector_store %arg7[%swap3A_554, %swap3A_555], %swap3A_558 {strides = array<i32>} : memref<512x64xf32, #tpu.memory_space<vmem>>, vector<1x16xf32>,
        %mul3A_559 = arith.constant 2.000000e-02 : f32
        %mul3A_560 = vector.broadcast %mul3A_559 : f32 to vector<16xf32>
        %mul3A_561 = arith.mulf %scan3A_525#3, %mul3A_560 : vector<16xf32>
        %mul3A_562 = arith.constant 8 : i32
        %mul3A_563 = arith.muli %add3A_115, %mul3A_562 : i32
        %add3A_564 = arith.addi %mul3A_563, %scan3A_513 : i32
        %swap3A_565 = arith.index_cast %add3A_564 : i32 to index
        %swap3A_566 = arith.constant 48 : index
        %swap3A_567 = tpu.vector_load %arg7[%swap3A_565, %swap3A_566] {strides = array<i32>} : memref<512x64xf32, #tpu.memory_space<vmem>>, vector<1x16xf32>,
        %swap3A_568 = vector.shape_cast %swap3A_567 : vector<1x16xf32> to vector<16xf32>
        %swap3A_569 = vector.shape_cast %mul3A_561 : vector<16xf32> to vector<1x16xf32>
        tpu.vector_store %arg7[%swap3A_565, %swap3A_566], %swap3A_569 {strides = array<i32>} : memref<512x64xf32, #tpu.memory_space<vmem>>, vector<1x16xf32>,
      }
      %scan3A_512 = arith.constant 8 : i32
    }
    %scan3A_110 = arith.constant 32 : i32
    "tpu.region"() ({
      %run_scoped3A = tpu.sem_alloc : memref<!tpu.dma_semaphore, #tpu.memory_space<semaphore_mem>>
      %dma_start3A_111 = arith.constant 0 : i32
      %dma_start3A_112 = tpu.memref_slice %arg4[%multiple_of3A, %dma_start3A_111] : memref<16384x64xf32, #tpu.memory_space<hbm>> -> memref<512x64xf32, #tpu.memory_space<hbm>>
      %dma_start3A_113 = arith.constant 0 : i32
      %dma_start3A_114 = tpu.memref_slice %arg4[%multiple_of3A, %dma_start3A_113] : memref<16384x64xf32, #tpu.memory_space<hbm>> -> memref<512x64xf32, #tpu.memory_space<hbm>>
      tpu.enqueue_dma source(%arg7 : memref<512x64xf32, #tpu.memory_space<vmem>>) target(%dma_start3A_114 : memref<512x64xf32, #tpu.memory_space<hbm>>) target_semaphore(%run_scoped3A : memref<!tpu.dma_semaphore, #tpu.memory_space<semaphore_mem>>)
      %dma_wait3A = arith.constant 0 : i32
      %dma_wait3A_115 = tpu.memref_slice %arg4[%multiple_of3A, %dma_wait3A] : memref<16384x64xf32, #tpu.memory_space<hbm>> -> memref<512x64xf32, #tpu.memory_space<hbm>>
      %dma_wait3A_116 = arith.constant 0 : i32
      %dma_wait3A_117 = tpu.memref_slice %arg4[%multiple_of3A, %dma_wait3A_116] : memref<16384x64xf32, #tpu.memory_space<hbm>> -> memref<512x64xf32, #tpu.memory_space<hbm>>
      tpu.wait_dma2 semaphore(%run_scoped3A : memref<!tpu.dma_semaphore, #tpu.memory_space<semaphore_mem>>) src(%arg7 : memref<512x64xf32, #tpu.memory_space<vmem>>) dst(%dma_wait3A_117 : memref<512x64xf32, #tpu.memory_space<hbm>>)
      tpu.yield
    }) : () -> ()
    return
  }
}

module attributes {stable_mosaic.version = 14 : i64} {
  func.func @_tc_head_kernel(%arg0: i32, %arg1: memref<512x64xf32, #tpu.memory_space<vmem>>, %arg2: memref<64x64xf32, #tpu.memory_space<vmem>>, %arg3: memref<1x64xf32, #tpu.memory_space<vmem>>, %arg4: memref<512x64xf32, #tpu.memory_space<vmem>>) attributes {dimension_semantics = [#tpu.dimension_semantics<arbitrary>], iteration_bounds = array<i64: 32>, scalar_prefetch = 0 : i64, scratch_operands = 0 : i64, tpu.core_type = #tpu.core_type<tc>, window_params = [{transform_indices = @transform_0, window_bounds = array<i64: 512, 64>}, {pipeline_mode = #tpu.pipeline_mode<synchronous>, transform_indices = @transform_1, window_bounds = array<i64: 64, 64>}, {pipeline_mode = #tpu.pipeline_mode<synchronous>, transform_indices = @transform_2, window_bounds = array<i64: 1, 64>}, {transform_indices = @transform_3, window_bounds = array<i64: 512, 64>}]} {
    %get3A = arith.constant 0 : index
    %get3A_0 = arith.constant 0 : index
    %get3A_1 = vector.load %arg1[%get3A, %get3A_0] : memref<512x64xf32, #tpu.memory_space<vmem>>, vector<512x64xf32>
    %get3A_2 = arith.constant 0 : index
    %get3A_3 = arith.constant 0 : index
    %get3A_4 = vector.load %arg2[%get3A_2, %get3A_3] : memref<64x64xf32, #tpu.memory_space<vmem>>, vector<64x64xf32>
    %dot_general3A = arith.constant dense<0.000000e+00> : vector<512x64xf32>
    %dot_general3A_5 = tpu.matmul %get3A_1, %get3A_4, %dot_general3A {dimension_numbers = #tpu.dot_dimension_numbers<[1], [0], [0], [1], [0, 0, 1, 1], [], []>, transpose_lhs_hint = false} : vector<512x64xf32>, vector<64x64xf32>, vector<512x64xf32> -> vector<512x64xf32>
    %get3A_6 = arith.constant 0 : index
    %get3A_7 = arith.constant 0 : index
    %get3A_8 = vector.load %arg3[%get3A_6, %get3A_7] : memref<1x64xf32, #tpu.memory_space<vmem>>, vector<1x64xf32>
    %add3A = vector.broadcast %get3A_8 : vector<1x64xf32> to vector<512x64xf32>
    %add3A_9 = arith.addf %dot_general3A_5, %add3A : vector<512x64xf32>
    %reduce_max3A = arith.constant dense<0xFF800000> : vector<512xf32>
    %reduce_max3A_10 = vector.multi_reduction <maximumf>, %add3A_9, %reduce_max3A [1] : vector<512x64xf32> to vector<512xf32>
    %broadcast_in_dim3A = vector.shape_cast %reduce_max3A_10 : vector<512xf32> to vector<512x1xf32>
    %sub3A = vector.broadcast %broadcast_in_dim3A : vector<512x1xf32> to vector<512x64xf32>
    %sub3A_11 = arith.subf %add3A_9, %sub3A : vector<512x64xf32>
    %exp3A = math.exp %sub3A_11 : vector<512x64xf32>
    %reduce_sum3A = arith.constant dense<0.000000e+00> : vector<512xf32>
    %reduce_sum3A_12 = vector.multi_reduction <add>, %exp3A, %reduce_sum3A [1] : vector<512x64xf32> to vector<512xf32>
    %broadcast_in_dim3A_13 = vector.shape_cast %reduce_sum3A_12 : vector<512xf32> to vector<512x1xf32>
    %div3A = vector.broadcast %broadcast_in_dim3A_13 : vector<512x1xf32> to vector<512x64xf32>
    %div3A_14 = arith.divf %exp3A, %div3A : vector<512x64xf32>
    %swap3A = arith.constant 0 : index
    %swap3A_15 = arith.constant 0 : index
    %swap3A_16 = vector.load %arg4[%swap3A, %swap3A_15] : memref<512x64xf32, #tpu.memory_space<vmem>>, vector<512x64xf32>
    tpu.vector_store %arg4[%swap3A, %swap3A_15], %div3A_14 {strides = array<i32>} : memref<512x64xf32, #tpu.memory_space<vmem>>, vector<512x64xf32>,
    return
  }
  func.func @transform_0(%arg0: i32) -> (i32, i32) {
    %c0_i32 = arith.constant 0 : i32
    %c0_i32_0 = arith.constant 0 : i32
    return %arg0, %c0_i32 : i32, i32
  }
  func.func @transform_1(%arg0: i32) -> (i32, i32) {
    %c0_i32 = arith.constant 0 : i32
    %c0_i32_0 = arith.constant 0 : i32
    %c0_i32_1 = arith.constant 0 : i32
    return %c0_i32, %c0_i32_0 : i32, i32
  }
  func.func @transform_2(%arg0: i32) -> (i32, i32) {
    %c0_i32 = arith.constant 0 : i32
    %c0_i32_0 = arith.constant 0 : i32
    %c0_i32_1 = arith.constant 0 : i32
    return %c0_i32, %c0_i32_0 : i32, i32
  }
  func.func @transform_3(%arg0: i32) -> (i32, i32) {
    %c0_i32 = arith.constant 0 : i32
    %c0_i32_0 = arith.constant 0 : i32
    return %arg0, %c0_i32 : i32, i32
  }
}

</mosaic_0001>

<sc_bundles>
// kernel: kernel.4.cloned.1.call-start
scs
__scs_entry_jumppad:
0x0: {  	(pc) =	sbr.rel $0x88, $3  }
0x1: {  	(tag) =	ssettag $0x0;
	lr =	simm.s32 $0x1  }
0x2: {  	[smem:$0x3F9D] =	sst lr;
	_ =	strace $0xD0000000  }
0x3: {  	_ = 	snop  }
0x4: {  	_ = 	snop  }
0x5: {  	_ = 	snop  }
0x6: {  	_ = 	snop  }
0x7: {  	_ = 	snop  }
__scs_overlays_trampoline_lowered:
0x8: {  	[smem:$0x3FAC] =	sst s0  }
0x9: {  	[smem:$0x3FAD] =	sst s1  }
0xa: {  	[smem:$0x3FAE] =	sst s2  }
0xb: {  	[smem:$0x3FAF] =	sst s3  }
0xc: {  	[smem:$0x3FB0] =	sst s4  }
0xd: {  	[smem:$0x3FB1] =	sst s5  }
0xe: {  	[smem:$0x3FB2] =	sst s6  }
0xf: {  	[smem:$0x3FB3] =	sst s7  }
0x10: {  	[smem:$0x3FB4] =	sst s8  }
0x11: {  	[smem:$0x3FB5] =	sst s9;
	s0 =	simm.s32 @!p0 $0x0  }
0x12: {  	s1 =	sld [smem:$0x3F9B];
	s0 =	simm.s32 @p0 $0x1  }
0x13: {  	[smem:$0x3FB6] =	sst s0;
	s0 =	simm.s32 @!p1 $0x0  }
0x14: {  	s2 =	sld [smem:$0x3F9A];
	s0 =	simm.s32 @p1 $0x1  }
0x15: {  	[smem:$0x3FB7] =	sst s0;
	s0 =	simm.s32 @!p2 $0x0  }
0x16: {  	s3 =	sld [smem:$0x3FDB];
	s0 =	simm.s32 @p2 $0x1  }
0x17: {  	s4 =	simm.s32 $0x1BF5;
	[smem:$0x3FB9] =	sst s0  }
0x18: {  	s0 =	sld [smem:$0x3F9C];
	_ =	swait.ge [sflag:s4], $0x0  }
0x19: {  	s7 =	sld [smem:$0x3F9D]  }
0x1a: {  	s8 =	sadd.s32 $0xFFFFE003, lr  }
0x1b: {  	s9 =	sadd.s32 $0xFFFFFEF7, lr;
	s5 =	simm.s32 $0xFFFFFFFF;
	p2 =	slt.u32 s8, $0xFFFFF086  }
0x1c: {  	p1 =	slt.u32 s9, $0xF7A;
	s5 =	simm.s32 @!p2 $0x0  }
0x1d: {  	s5 =	simm.s32 @p1 $0x1;
	p0 =	seq.s32 s7, s2  }
0x1e: {  	s7 =	smul.u32 @!p0 $0xF7A, s2;
	p2 =	seq.s32 @!p0 s5, $0x0  }
0x1f: {  	s9 =	smul.u32 $0xF7A, s1;
	s8 =	simm.s32 @!p0 $0x1BF5;
	p2 =	por !p2, p0  }
0x20: {  	[sflag:s8] =	ssyncset.s32 @!p0 $0xFFFFF086;
	s6 =	sadd.s32 @!p0 s3, s7;
	s7 =	simm.s32 @!p0 $0x108  }
0x21: {  	s3 =	sadd.s32 s3, s9;
	s6 =	sadd.s32 @!p0 $0x88, s6;
	s7 =	simm.s32 @p2 $0x1082  }
0x22: {  	[simem:s7], [sflag:s8] =	dma.local @!p0 [hbm:s6], $0xF7A  }
0x23: {  	s9 =	sor.u32 $0xD0000000, s2;
	s6 =	simm.s32 $0x108;
	_ =	swait.ge @!p0 [sflag:s8], $0x0  }
0x24: {  	s3 =	sadd.s32 $0x88, s3;
	s6 =	simm.s32 @!p1 $0x1082;
	[sflag:s4] =	ssyncset.s32 $0xFFFFF086  }
0x25: {  	[simem:s6], [sflag:s4] =	dma.local [hbm:s3], $0xF7A  }
0x26: {  	[smem:$0x3F9D] =	sst s1;
	(tag) =	ssettag s2;
	_ =	strace s9  }
0x27: {  	s1 =	sld [smem:$0x3FAD]  }
0x28: {  	s2 =	sld [smem:$0x3FAE]  }
0x29: {  	s4 =	sld [smem:$0x3FB0]  }
0x2a: {  	p0 =	seq.s32 s5, $0x0;
	s5 =	sld [smem:$0x3FB1]  }
0x2b: {  	s6 =	sld [smem:$0x3FB2]  }
0x2c: {  	s7 =	sld [smem:$0x3FB3]  }
0x2d: {  	s3 =	simm.s32 $0x108;
	s8 =	sld [smem:$0x3FB4]  }
0x2e: {  	s3 =	simm.s32 @!p0 $0x1082;
	s9 =	sld [smem:$0x3FB5]  }
0x2f: {  	lr =	sadd.s32 s0, s3;
	s0 =	sld [smem:$0x3FAC]  }
0x30: {  	s3 =	sld [smem:$0x3FAF]  }
0x31: {  	[smem:$0x3FB8] =	sst s10  }
0x32: {  	s10 =	sld [smem:$0x3FB6];
	_ =	sdelay $0x3  }
0x33: {  	p0 =	seq.s32 s10, $0x1;
	s10 =	sld [smem:$0x3FB8];
	_ =	sdelay $0x3  }
0x34: {  	[smem:$0x3FB8] =	sst s10  }
0x35: {  	s10 =	sld [smem:$0x3FB7];
	_ =	sdelay $0x3  }
0x36: {  	p1 =	seq.s32 s10, $0x1;
	s10 =	sld [smem:$0x3FB8];
	_ =	sdelay $0x3  }
0x37: {  	[smem:$0x3FB8] =	sst s10  }
0x38: {  	s10 =	sld [smem:$0x3FB9]  }
0x39: {  	_ = 	snop;
	(pc) =	sbr.ind lr, $3  }
0x3a: {  	_ = 	snop  }
0x3b: {  	_ = 	snop  }
0x3c: {  	p2 =	seq.s32 s10, $0x1;
	s10 =	sld [smem:$0x3FB8]  }
0x3d: {  	_ =	shalt  }
0x3e: {  	_ =	shalt  }
0x3f: {  	_ =	shalt  }
0x40: {  	_ =	shalt  }
0x41: {  	_ =	shalt  }
0x42: {  	_ =	shalt  }
0x43: {  	_ =	shalt  }
0x44: {  	_ =	shalt  }
0x45: {  	_ =	shalt  }
0x46: {  	_ =	shalt  }
0x47: {  	_ =	shalt  }
0x48: {  	_ =	shalt  }
0x49: {  	_ =	shalt  }
0x4a: {  	_ =	shalt  }
0x4b: {  	_ =	shalt  }
0x4c: {  	_ =	shalt  }
0x4d: {  	_ =	shalt  }
0x4e: {  	_ =	shalt  }
0x4f: {  	_ =	shalt  }
0x50: {  	_ =	shalt  }
0x51: {  	_ =	shalt  }
0x52: {  	_ =	shalt  }
0x53: {  	_ =	shalt  }
0x54: {  	_ =	shalt  }
0x55: {  	_ =	shalt  }
0x56: {  	_ =	shalt  }
0x57: {  	_ =	shalt  }
0x58: {  	_ =	shalt  }
0x59: {  	_ =	shalt  }
0x5a: {  	_ =	shalt  }
0x5b: {  	_ =	shalt  }
0x5c: {  	_ =	shalt  }
0x5d: {  	_ =	shalt  }
0x5e: {  	_ =	shalt  }
0x5f: {  	_ =	shalt  }
0x60: {  	_ =	shalt  }
0x61: {  	_ =	shalt  }
0x62: {  	_ =	shalt  }
0x63: {  	_ =	shalt  }
0x64: {  	_ =	shalt  }
0x65: {  	_ =	shalt  }
0x66: {  	_ =	shalt  }
0x67: {  	_ =	shalt  }
0x68: {  	_ =	shalt  }
0x69: {  	_ =	shalt  }
0x6a: {  	_ =	shalt  }
0x6b: {  	_ =	shalt  }
0x6c: {  	_ =	shalt  }
0x6d: {  	_ =	shalt  }
0x6e: {  	_ =	shalt  }
0x6f: {  	_ =	shalt  }
0x70: {  	_ =	shalt  }
0x71: {  	_ =	shalt  }
0x72: {  	_ =	shalt  }
0x73: {  	_ =	shalt  }
0x74: {  	_ =	shalt  }
0x75: {  	_ =	shalt  }
0x76: {  	_ =	shalt  }
0x77: {  	_ =	shalt  }
0x78: {  	_ =	shalt  }
0x79: {  	_ =	shalt  }
0x7a: {  	_ =	shalt  }
0x7b: {  	_ =	shalt  }
0x7c: {  	_ =	shalt  }
0x7d: {  	_ =	shalt  }
0x7e: {  	_ =	shalt  }
0x7f: {  	_ =	shalt  }
0x80: {  	_ =	shalt  }
0x81: {  	_ =	shalt  }
0x82: {  	_ =	shalt  }
0x83: {  	_ =	shalt  }
0x84: {  	_ =	shalt  }
0x85: {  	_ =	shalt  }
0x86: {  	_ =	shalt  }
0x87: {  	_ =	shalt  }
.Lfunc_end0:
.L_simem_size_0:
called_computation_lowered:
.L_overlay_start_0:
0x88: {  	s2 =	sld [smem:$0x3FD9]  }
0x89: {  	s3 =	sld [smem:$0x3FFE];
	_ =	sdelay $0x1  }
0x8a: {  	s1 =	srdreg.scid  }
0x8b: {  	s0 =	sand.u32 $0x1, s1  }
0x8c: {  	s17 =	sshll.u32 s0, $0xA;
	s2 =	sadd.s32 s3, s2  }
0x8d: {  	s2 =	sadd.s32 s2, s17  }
0x8e: {  	[smem:$0x3FC4] =	sst s2  }
0x8f: {  	_ = 	snop  }
0x90: {  	s2 =	sld [smem:$0x3FD0];
	(tm) =	ssettm $0x1  }
0x91: {  	s18 =	sld [smem:$0x3FFB];
	_ =	sdelay $0x3  }
0x92: {  	_ =	strace s18  }
0x93: {  	s3 =	sld [smem:$0x3FFC];
	_ =	sdelay $0x3  }
0x94: {  	_ =	strace s3  }
0x95: {  	s3 =	sld [smem:$0x3FFD];
	_ =	sdelay $0x3  }
0x96: {  	_ =	strace s3  }
0x97: {  	_ =	strace $0x8FFFFFFF  }
0x98: {  	s19 =	sld [smem:$0x3FDB];
	_ =	sdelay $0x1  }
0x99: {  	s4 =	simm.s32 $_scs_section_size  }
0x9a: {  	s5 =	simm.s32 $_size__tile_overlayer_lowered;
	s6 =	simm.s32 $_tile_overlayer_lowered  }
0x9b: {  	s22 =	simm.s32 $0x1BFF;
	s21 =	sshll.u32 s6, $0x1;
	s3 =	sadd.s32 s4, s19  }
0x9c: {  	s7 =	simm.s32 $0x0;
	s20 =	sshll.u32 s5, $0x1;
	s5 =	sadd.s32 s21, s3  }
0x9d: {  	[timem:s7], [sflag:s22] =	dma.local [hbm:s5], s20  }
0x9e: {  	_ =	swait.ge [sflag:s22], s20  }
0x9f: {  	s4 =	ssub.s32 $0x0, s20;
	[sflag:s22] =	ssyncset.done $0x0  }
0xa0: {  	[sflag:s22] =	ssyncadd.s32 s4;
	_ =	sdelay $0x1  }
0xa1: {  	s23 =	simm.s32 $0x1B8B  }
0xa2: {  	_ =	swait.ge [sflag:s23], $0x1  }
0xa3: {  	[sflag:s23] =	ssyncset.done $0x0  }
0xa4: {  	s25 =	simm.s32 $0x1B8E;
	s24 =	sld [smem:$0x3FFE];
	[sflag:s23] =	ssyncadd.s32 $0xFFFFFFFF  }
0xa5: {  	s26 =	simm.s32 $execute0_lowered;
	[smem:$0x3FD2] =	sst s25  }
0xa6: {  	s5 =	sshll.u32 s26, $0x1;
	_ =	strace $0x80000046;
	[dreg:$0x1] =	wrdreg $0xFFFFFFFF  }
0xa7: {  	s28 =	simm.s32 $_size_execute0_lowered;
	s3 =	sadd.s32 s3, s5;
	[dreg:$0x0] =	wrdreg $0x0  }
0xa8: {  	s5 =	sshll.u32 s28, $0x1;
	[dreg:$0x2] =	wrdreg s3  }
0xa9: {  	[dreg:$0x3] =	wrdreg s5  }
0xaa: {  	[dreg:$0x4] =	wrdreg $0xC0  }
0xab: {  	_ =	task [dreg:s7], $0x5FFFF  }
0xac: {  	[dreg:$0x1] =	wrdreg $0xFFFFFFFF  }
0xad: {  	[dreg:$0x0] =	wrdreg $0x60  }
0xae: {  	[dreg:$0x2] =	wrdreg s24  }
0xaf: {  	[dreg:$0x3] =	wrdreg s2  }
0xb0: {  	[dreg:$0x4] =	wrdreg $0x9  }
0xb1: {  	_ =	task.clear_ibuf [dreg:s7], $0x5FFFF;
	_ =	strace $0x90000046  }
0xb2: {  	s29 =	simm.s32 $0x9;
	_ =	strace $0x80000048  }
0xb3: {  	_ =	swait.ge [sflag:s29], $0x1  }
0xb4: {  	[sflag:s29] =	ssyncadd.s32 $0xFFFFFFFF  }
0xb5: {  	_ =	strace $0x90000048  }
0xb6: {  	_ =	sfence  }
0xb7: {  	s30 =	sld [smem:$0x0];
	_ =	sdelay $0x2  }
0xb8: {  	s31 =	sshll.u32 s1, $0xD;
	s1 =	sshrl.u32 s1, $0x2  }
0xb9: {  	s3 =	sand.u32 $0x4000, s31;
	s1 =	sadd.s32 s1, s30  }
0xba: {  	s0 =	sor.u32 s3, s0;
	s1 =	sshll.u32 s1, $0x11  }
0xbb: {  	s0 =	sor.u32 s1, s0  }
0xbc: {  	s0 =	sadd.s32 $0x8F2B, s0  }
0xbd: {  	[sflag:s0] =	ssyncadd.remote.s32 $0x1  }
0xbe: {  	_ =	sfence.sel $0xFFFF  }
0xbf: {  	[dreg:$0x0] =	wrdreg $0xFFFFFFFF;
	(pc) =	sbr.abs _section_cstart, $3  }
0xc0: {  	[dreg:$0x1] =	wrdreg $0xFFFFFFFF  }
0xc1: {  	_ =	task.clear_ibuf [dreg:s7], $0x2FFFF;
	_ =	strace $0x9FFFFFFF  }
0xc2: {  	(tm) =	ssettm $0x7FFFFFFF  }
0xc3: {  	_ =	shalt  }
tec
execute0_lowered:
.L_overlay_start_1:
0x0: {  	(tag) =	ssettag $0x1  }
0x1: {  	s0 =	srdreg.scid;
	s1 =	rddreg [dreg:$0x0]  }
0x2: {  	s2 =	stileid.u32;
	s5 =	rddreg [dreg:$0x1]  }
0x3: {  	s8 =	simm.s32 $0x32;
	s19 =	simm.s32 $0xAE80;
	s20 =	simm.s32 $0x150  }
0x4: {  	s21 =	simm.s32 $0xBB00;
	s22 =	simm.s32 $0x188;
	s23 =	simm.s32 $0xC780  }
0x5: {  	s24 =	simm.s32 $0xD400;
	s25 =	simm.s32 $0xE080;
	s28 =	simm.s32 $0xF980  }
0x6: {  	s29 =	simm.s32 $0x10600;
	s30 =	simm.s32 $0x11280;
	s31 =	simm.s32 $0x11F00  }
0x7: {  	s9 =	simm.s32 $0x2;
	s10 =	simm.s32 $0x13800;
	s0 =	sand.u32 $0x1, s0  }
0x8: {  	s11 =	simm.s32 $0x0;
	s2 =	sshll.u32 s2, $0xA;
	s3 =	sshll.u32 s0, $0x9  }
0x9: {  	s0 =	ssub.s32 $0x2, s0;
	s4 =	sor.u32 s3, s2;
	s2 =	simm.s32 $0x0  }
0xa: {  	s26 =	sshrl.u32 s0, $0x1;
	s3 =	smul.u32 $0x7, s4;
	[smem:$0x7FF] =	sst s2  }
0xb: {  	s7 =	sshll.u32 s4, $0x3;
	s0 =	ssub.s32 s0, s26;
	s26 =	simm.s32 $0xED00  }
0xc: {  	_ =	strace $0x80000047;
	s5 =	sadd.s32 s5, s7;
	s7 =	simm.s32 $0x3  }
0xd: {  	s6 =	sadd.s32 s3, s1;
	s3 =	sadd.s32 $0xF42E00, s1;
	s1 =	simm.s32 $0x12B80  }
0xe: {  	s4 =	sadd.s32 $0xA00, s6;
	s6 =	smax.u32 s0, $0x1;
	s0 =	simm.s32 $0x1  }
.LBB2_1:
0xf: {  	[tilespmem:s2], [sflag:$0x3] =	stream.linear.gather [hbm4b:s4+s2], $0x7000, $0x38;
	[tilespmem:$0x1B800] =	vst v63  }
0x10: {  	_ =	swait.ge [sflag:s7], $0x7000  }
0x11: {  	[sflag:s7] =	ssyncset.done $0x0  }
0x12: {  	s12 =	simm.s32 $0x7000;
	[sflag:s7] =	ssyncadd.s32 $0xFFFF9000  }
0x13: {  	[tilespmem:s12], [sflag:$0x1] =	stream.indirect.gather [hbm4b:s3+s8], $0x40, s2, s8, $0xb8;
	[tilespmem:$0x1B800] =	vst v63  }
0x14: {  	s16 =	simm.s32 $0x38;
	s13 =	simm.s32 $0x7C80  }
0x15: {  	[tilespmem:s13], [sflag:$0x1] =	stream.indirect.gather [hbm4b:s3+s8], $0x40, s16, s8, $0xb8;
	[tilespmem:$0x1B800] =	vst v63  }
0x16: {  	s17 =	simm.s32 $0x70;
	s18 =	simm.s32 $0x8900  }
0x17: {  	[tilespmem:s18], [sflag:$0x1] =	stream.indirect.gather [hbm4b:s3+s8], $0x40, s17, s8, $0xb8;
	[tilespmem:$0x1B800] =	vst v63  }
0x18: {  	s14 =	simm.s32 $0xA8;
	s15 =	simm.s32 $0x9580  }
0x19: {  	[tilespmem:s15], [sflag:$0x1] =	stream.indirect.gather [hbm4b:s3+s8], $0x40, s14, s8, $0xb8;
	[tilespmem:$0x1B800] =	vst v63  }
0x1a: {  	s16 =	simm.s32 $0xE0;
	s17 =	simm.s32 $0xA200  }
0x1b: {  	[tilespmem:s17], [sflag:$0x1] =	stream.indirect.gather [hbm4b:s3+s8], $0x40, s16, s8, $0xb8;
	[tilespmem:$0x1B800] =	vst v63  }
0x1c: {  	s18 =	simm.s32 $0x118  }
0x1d: {  	[tilespmem:s19], [sflag:$0x1] =	stream.indirect.gather [hbm4b:s3+s8], $0x40, s18, s8, $0xb8;
	[tilespmem:$0x1B800] =	vst v63  }
0x1e: {  	_ = 	snop  }
0x1f: {  	[tilespmem:s21], [sflag:$0x1] =	stream.indirect.gather [hbm4b:s3+s8], $0x40, s20, s8, $0xb8;
	[tilespmem:$0x1B800] =	vst v63  }
0x20: {  	s12 =	simm.s32 $0x0  }
0x21: {  	[tilespmem:s23], [sflag:$0x1] =	stream.indirect.gather [hbm4b:s3+s8], $0x40, s22, s8, $0xb8;
	[tilespmem:$0x1B800] =	vst v63  }
.LBB2_2:
0x22: {  	s13 =	sshll.u32 s12, $0x4  }
0x23: {  	s13 =	sor.u32 $0x8, s13  }
0x24: {  	s14 =	smul.u32 $0xE0, s13;
	_ =	sdelay $0x1  }
0x25: {  	s15 =	smul.u32 $0xE00, s12;
	s14 =	sshra.s32 s14, $0x2  }
0x26: {  	[tilespmem:s24], [sflag:$0x2] =	stream.indirect.gather [hbm4b:s3+s8], $0x40, s14, s8, $0xb8;
	[tilespmem:$0x1B800] =	vst v63  }
0x27: {  	s14 =	sshra.s32 s15, $0x2  }
0x28: {  	s15 =	sadd.s32 $0x1F8, s14  }
0x29: {  	[tilespmem:s25], [sflag:$0x2] =	stream.indirect.gather [hbm4b:s3+s8], $0x40, s15, s8, $0xb8;
	[tilespmem:$0x1B800] =	vst v63  }
0x2a: {  	s18 =	sadd.s32 $0x230, s14  }
0x2b: {  	[tilespmem:s26], [sflag:$0x2] =	stream.indirect.gather [hbm4b:s3+s8], $0x40, s18, s8, $0xb8;
	[tilespmem:$0x1B800] =	vst v63  }
0x2c: {  	s16 =	sadd.s32 $0x268, s14  }
0x2d: {  	[tilespmem:s28], [sflag:$0x2] =	stream.indirect.gather [hbm4b:s3+s8], $0x40, s16, s8, $0xb8;
	[tilespmem:$0x1B800] =	vst v63  }
0x2e: {  	s17 =	sadd.s32 $0x2A0, s14  }
0x2f: {  	[tilespmem:s29], [sflag:$0x2] =	stream.indirect.gather [hbm4b:s3+s8], $0x40, s17, s8, $0xb8;
	[tilespmem:$0x1B800] =	vst v63  }
0x30: {  	s18 =	sadd.s32 $0x2D8, s14  }
0x31: {  	[tilespmem:s30], [sflag:$0x2] =	stream.indirect.gather [hbm4b:s3+s8], $0x40, s18, s8, $0xb8;
	[tilespmem:$0x1B800] =	vst v63  }
0x32: {  	s16 =	sadd.s32 $0x310, s14  }
0x33: {  	[tilespmem:s31], [sflag:$0x2] =	stream.indirect.gather [hbm4b:s3+s8], $0x40, s16, s8, $0xb8;
	[tilespmem:$0x1B800] =	vst v63  }
0x34: {  	s17 =	sadd.s32 $0x348, s14  }
0x35: {  	[tilespmem:s1], [sflag:$0x2] =	stream.indirect.gather [hbm4b:s3+s8], $0x40, s17, s8, $0xb8;
	[tilespmem:$0x1B800] =	vst v63  }
0x36: {  	_ =	swait.ge [sflag:s0], $0xC80  }
0x37: {  	[sflag:s0] =	ssyncset.done $0x0  }
0x38: {  	[sflag:s0] =	ssyncadd.s32 $0xFFFFF380  }
0x39: {  	_ =	swait.ge [sflag:s0], $0xC80  }
0x3a: {  	[sflag:s0] =	ssyncset.done $0x0  }
0x3b: {  	[sflag:s0] =	ssyncadd.s32 $0xFFFFF380  }
0x3c: {  	_ =	swait.ge [sflag:s0], $0xC80  }
0x3d: {  	[sflag:s0] =	ssyncset.done $0x0  }
0x3e: {  	[sflag:s0] =	ssyncadd.s32 $0xFFFFF380  }
0x3f: {  	_ =	swait.ge [sflag:s0], $0xC80  }
0x40: {  	[sflag:s0] =	ssyncset.done $0x0  }
0x41: {  	[sflag:s0] =	ssyncadd.s32 $0xFFFFF380  }
0x42: {  	_ =	swait.ge [sflag:s0], $0xC80  }
0x43: {  	[sflag:s0] =	ssyncset.done $0x0  }
0x44: {  	[sflag:s0] =	ssyncadd.s32 $0xFFFFF380  }
0x45: {  	_ =	swait.ge [sflag:s0], $0xC80  }
0x46: {  	[sflag:s0] =	ssyncset.done $0x0  }
0x47: {  	[sflag:s0] =	ssyncadd.s32 $0xFFFFF380  }
0x48: {  	_ =	swait.ge [sflag:s0], $0xC80  }
0x49: {  	[sflag:s0] =	ssyncset.done $0x0  }
0x4a: {  	s18 =	sshll.u32 s12, $0xA;
	[sflag:s0] =	ssyncadd.s32 $0xFFFFF380  }
0x4b: {  	s15 =	sand.u32 $0x3FFFFC00, s18;
	_ =	swait.ge [sflag:s0], $0xC80  }
0x4c: {  	s17 =	sadd.s32 $0x13800, s15;
	[sflag:s0] =	ssyncset.done $0x0  }
0x4d: {  	s16 =	simm.s32 $0x7020;
	s15 =	simm.s32 $0x0;
	v0 =	vmov s17;
	[sflag:s0] =	ssyncadd.s32 $0xFFFFF380  }
.LBB2_3:
0x4e: {  	v3 =	vmov s16;
	_ =	sdelay $0x3  }
0x4f: {  	s18 =	simm.s32 $0x0  }
0x50: {  	v1 =	vld.idx.msk [tilespmem:v3+s18+$0x10 ss:$0x1], $0xffff  }
0x51: {  	v4 =	vld.idx.msk [tilespmem:v3+s18+$0xFFFFFFE0 ss:$0x1], $0xffff  }
0x52: {  	v2 =	vimm.f32 $0.0e+00;
	v5 =	vld.idx.msk [tilespmem:v3+s18+$0xFFFFFFF0 ss:$0x1], $0xffff  }
0x53: {  	s17 =	simm.s32 $0x100;
	v7 =	vimm.f32 $0.0e+00;
	v8 =	vimm.f32 $0.0e+00;
	v9 =	vimm.f32 $0.0e+00;
	v6 =	vld.idx.msk [tilespmem:v3+s18+$0x0 ss:$0x1], $0xffff  }
.LBB2_4:
0x54: {  	p0 =	sne.s32 s17, $0x3100  }
.Ltmp0:
0x55: {  	s18 =	sshra.s32 s17, $0x2;
	s17 =	sadd.s32 $0x100, s17;
	(pc) =	sbr.rel @p0 .LBB2_4-.Ltmp0, $4  }
0x56: {  	v2 =	vadd.f32 v1, v2;
	v1 =	vld.idx.msk [tilespmem:v3+s18+$0x10 ss:$0x1], $0xffff  }
0x57: {  	v7 =	vadd.f32 v4, v7;
	v4 =	vld.idx.msk [tilespmem:v3+s18+$0xFFFFFFE0 ss:$0x1], $0xffff  }
0x58: {  	v8 =	vadd.f32 v5, v8;
	v5 =	vld.idx.msk [tilespmem:v3+s18+$0xFFFFFFF0 ss:$0x1], $0xffff  }
0x59: {  	v9 =	vadd.f32 v6, v9;
	v6 =	vld.idx.msk [tilespmem:v3+s18+$0x0 ss:$0x1], $0xffff  }
0x5a: {  	_ =	sdelay $0x1  }
0x5b: {  	v3 =	vadd.f32 v4, v7  }
0x5c: {  	s17 =	sshll.u32 s15, $0x6;
	s15 =	sadd.s32 $0x1, s15;
	v62 =	vadd.f32 v5, v8  }
0x5d: {  	p0 =	sne.s32 s15, $0x8;
	v63 =	vadd.f32 v6, v9;
	v3 =	vmul.f32 $1.999999960e-02, v3  }
.Ltmp1:
0x5e: {  	v1 =	vadd.f32 v1, v2;
	s17 =	sand.u32 $0x3FFFFFC0, s17;
	v2 =	vmul.f32 $1.999999960e-02, v62;
	(pc) =	sbr.rel @p0 .LBB2_3-.Ltmp1, $4  }
0x5f: {  	[tilespmem:v0+s17+$0x0 ss:$0x1] =	vst.idx.msk $0xffff, v3;
	v3 =	vmul.f32 $1.999999960e-02, v63  }
0x60: {  	v1 =	vmul.f32 $1.999999960e-02, v1;
	[tilespmem:v0+s17+$0x10 ss:$0x1] =	vst.idx.msk $0xffff, v2  }
0x61: {  	[tilespmem:v0+s17+$0x20 ss:$0x1] =	vst.idx.msk $0xffff, v3  }
0x62: {  	s16 =	sadd.s32 $0xC80, s16;
	[tilespmem:v0+s17+$0x30 ss:$0x1] =	vst.idx.msk $0xffff, v1  }
0x63: {  	p0 =	seq.s32 s12, $0x1F  }
0x64: {  	s15 =	sadd.s32 @!p0 $0x380, s14;
	s16 =	simm.s32 @!p0 $0x32;
	s17 =	simm.s32 @!p0 $0x7000  }
0x65: {  	[tilespmem:s17], [sflag:$0x1] =	stream.indirect.gather @!p0 [hbm4b:s3+s16], $0x40, s15, s16, $0xb8;
	[tilespmem:$0x1B800] =	vst v63  }
0x66: {  	s15 =	sadd.s32 @!p0 $0x3B8, s14;
	s17 =	simm.s32 @!p0 $0x7C80  }
0x67: {  	[tilespmem:s17], [sflag:$0x1] =	stream.indirect.gather @!p0 [hbm4b:s3+s16], $0x40, s15, s16, $0xb8;
	[tilespmem:$0x1B800] =	vst v63  }
0x68: {  	s15 =	sadd.s32 @!p0 $0x3F0, s14;
	s17 =	simm.s32 @!p0 $0x8900  }
0x69: {  	[tilespmem:s17], [sflag:$0x1] =	stream.indirect.gather @!p0 [hbm4b:s3+s16], $0x40, s15, s16, $0xb8;
	[tilespmem:$0x1B800] =	vst v63  }
0x6a: {  	s15 =	sadd.s32 @!p0 $0x428, s14;
	s17 =	simm.s32 @!p0 $0x9580  }
0x6b: {  	[tilespmem:s17], [sflag:$0x1] =	stream.indirect.gather @!p0 [hbm4b:s3+s16], $0x40, s15, s16, $0xb8;
	[tilespmem:$0x1B800] =	vst v63  }
0x6c: {  	s15 =	sadd.s32 @!p0 $0x460, s14;
	s17 =	simm.s32 @!p0 $0xA200  }
0x6d: {  	[tilespmem:s17], [sflag:$0x1] =	stream.indirect.gather @!p0 [hbm4b:s3+s16], $0x40, s15, s16, $0xb8;
	[tilespmem:$0x1B800] =	vst v63  }
0x6e: {  	s15 =	sadd.s32 @!p0 $0x498, s14;
	s17 =	simm.s32 @!p0 $0xAE80  }
0x6f: {  	[tilespmem:s17], [sflag:$0x1] =	stream.indirect.gather @!p0 [hbm4b:s3+s16], $0x40, s15, s16, $0xb8;
	[tilespmem:$0x1B800] =	vst v63  }
0x70: {  	s15 =	sadd.s32 @!p0 $0x4D0, s14;
	s17 =	simm.s32 @!p0 $0xBB00  }
0x71: {  	[tilespmem:s17], [sflag:$0x1] =	stream.indirect.gather @!p0 [hbm4b:s3+s16], $0x40, s15, s16, $0xb8;
	[tilespmem:$0x1B800] =	vst v63  }
0x72: {  	s14 =	sadd.s32 @!p0 $0x508, s14;
	s15 =	simm.s32 @!p0 $0xC780  }
0x73: {  	[tilespmem:s15], [sflag:$0x1] =	stream.indirect.gather @!p0 [hbm4b:s3+s16], $0x40, s14, s16, $0xb8;
	[tilespmem:$0x1B800] =	vst v63  }
0x74: {  	_ =	swait.ge [sflag:s9], $0xC80  }
0x75: {  	[sflag:s9] =	ssyncset.done $0x0  }
0x76: {  	[sflag:s9] =	ssyncadd.s32 $0xFFFFF380  }
0x77: {  	_ =	swait.ge [sflag:s9], $0xC80  }
0x78: {  	[sflag:s9] =	ssyncset.done $0x0  }
0x79: {  	[sflag:s9] =	ssyncadd.s32 $0xFFFFF380  }
0x7a: {  	_ =	swait.ge [sflag:s9], $0xC80  }
0x7b: {  	[sflag:s9] =	ssyncset.done $0x0  }
0x7c: {  	[sflag:s9] =	ssyncadd.s32 $0xFFFFF380  }
0x7d: {  	_ =	swait.ge [sflag:s9], $0xC80  }
0x7e: {  	[sflag:s9] =	ssyncset.done $0x0  }
0x7f: {  	[sflag:s9] =	ssyncadd.s32 $0xFFFFF380  }
0x80: {  	_ =	swait.ge [sflag:s9], $0xC80  }
0x81: {  	[sflag:s9] =	ssyncset.done $0x0  }
0x82: {  	[sflag:s9] =	ssyncadd.s32 $0xFFFFF380  }
0x83: {  	_ =	swait.ge [sflag:s9], $0xC80  }
0x84: {  	[sflag:s9] =	ssyncset.done $0x0  }
0x85: {  	[sflag:s9] =	ssyncadd.s32 $0xFFFFF380  }
0x86: {  	_ =	swait.ge [sflag:s9], $0xC80  }
0x87: {  	[sflag:s9] =	ssyncset.done $0x0  }
0x88: {  	[sflag:s9] =	ssyncadd.s32 $0xFFFFF380  }
0x89: {  	_ =	swait.ge [sflag:s9], $0xC80  }
0x8a: {  	[sflag:s9] =	ssyncset.done $0x0  }
0x8b: {  	s14 =	simm.s32 $0x0;
	s15 =	simm.s32 $0x7000;
	[sflag:s9] =	ssyncadd.s32 $0xFFFFF380  }
.LBB2_7:
0x8c: {  	v2 =	vmov s15;
	_ =	sdelay $0x3  }
0x8d: {  	s17 =	simm.s32 $0x0  }
0x8e: {  	v0 =	vld.idx.msk [tilespmem:v2+s17+$0x6430 ss:$0x1], $0xffff  }
0x8f: {  	v3 =	vld.idx.msk [tilespmem:v2+s17+$0x6400 ss:$0x1], $0xffff  }
0x90: {  	v1 =	vimm.f32 $0.0e+00;
	v4 =	vld.idx.msk [tilespmem:v2+s17+$0x6410 ss:$0x1], $0xffff  }
0x91: {  	s16 =	simm.s32 $0x100;
	v7 =	vimm.f32 $0.0e+00;
	v8 =	vimm.f32 $0.0e+00;
	v6 =	vimm.f32 $0.0e+00;
	v5 =	vld.idx.msk [tilespmem:v2+s17+$0x6420 ss:$0x1], $0xffff  }
.LBB2_8:
0x92: {  	p0 =	sne.s32 s16, $0x3100  }
.Ltmp2:
0x93: {  	s17 =	sshra.s32 s16, $0x2;
	s16 =	sadd.s32 $0x100, s16;
	(pc) =	sbr.rel @p0 .LBB2_8-.Ltmp2, $4  }
0x94: {  	v1 =	vadd.f32 v0, v1;
	v0 =	vld.idx.msk [tilespmem:v2+s17+$0x6430 ss:$0x1], $0xffff  }
0x95: {  	v7 =	vadd.f32 v3, v7;
	v3 =	vld.idx.msk [tilespmem:v2+s17+$0x6400 ss:$0x1], $0xffff  }
0x96: {  	v8 =	vadd.f32 v4, v8;
	v4 =	vld.idx.msk [tilespmem:v2+s17+$0x6410 ss:$0x1], $0xffff  }
0x97: {  	v6 =	vadd.f32 v5, v6;
	v5 =	vld.idx.msk [tilespmem:v2+s17+$0x6420 ss:$0x1], $0xffff  }
0x98: {  	_ = 	snop  }
0x99: {  	v0 =	vadd.f32 v0, v1  }
0x9a: {  	s16 =	sadd.s32 s13, s14;
	s14 =	sadd.s32 $0x1, s14;
	v2 =	vadd.f32 v3, v7  }
0x9b: {  	s16 =	sshll.u32 s16, $0x6;
	p0 =	sne.s32 s14, $0x8;
	v60 =	vadd.f32 v4, v8;
	v0 =	vmul.f32 $1.999999960e-02, v0  }
.Ltmp3:
0x9c: {  	s16 =	sand.u32 $0x3FFFFFC0, s16;
	v61 =	vadd.f32 v5, v6;
	v2 =	vmul.f32 $1.999999960e-02, v2;
	(pc) =	sbr.rel @p0 .LBB2_7-.Ltmp3, $4  }
0x9d: {  	v62 =	vmul.f32 $1.999999960e-02, v60;
	[tilespmem:s16+$0x13830] =	vst v0  }
0x9e: {  	[tilespmem:s16+$0x13800] =	vst v2;
	v63 =	vmul.f32 $1.999999960e-02, v61  }
0x9f: {  	[tilespmem:s16+$0x13810] =	vst v62  }
0xa0: {  	s15 =	sadd.s32 $0xC80, s15;
	[tilespmem:s16+$0x13820] =	vst v63  }
0xa1: {  	s12 =	sadd.s32 $0x1, s12  }
0xa2: {  	p0 =	sne.s32 s12, $0x20  }
.Ltmp4:
0xa3: {  	_ = 	snop;
	(pc) =	sbr.rel @p0 .LBB2_2-.Ltmp4, $1  }
0xa4: {  	_ =	sdelay $0x3  }
0xa5: {  	s11 =	sadd.s32 $0x1, s11  }
0xa6: {  	p0 =	sne.s32 s11, s6  }
.Ltmp5:
0xa7: {  	_ = 	snop;
	(pc) =	sbr.rel @p0 .LBB2_1-.Ltmp5, $4  }
0xa8: {  	[hbm4b:s5+s2] =	stream.linear.scatter [tilespmem:s10], [sflag:$0x3], $0x8000, $0x38;
	[tilespmem:$0x1B800] =	vst v63  }
0xa9: {  	_ =	swait.ge [sflag:s7], $0x8000  }
0xaa: {  	[sflag:s7] =	ssyncset.done $0x0  }
0xab: {  	[sflag:s7] =	ssyncadd.s32 $0xFFFF8000  }
0xac: {  	_ =	sfence.sel $0x180000  }
0xad: {  	[bflag:$0x0] =	sbarrier.arrive $0xFFFF  }
0xae: {  	_ =	strace $0x90000047  }
0xaf: {  	s0 =	stileid.u32;
	[bflag:$0x2] =	sbarrier.arrive $0xFFFF  }
0xb0: {  	p0 =	sne.s32 s0, $0x0;
	s0 =	rddreg [dreg:$0x2]  }
0xb1: {  	s0 =	sadd.s32 @!p0 $0x100000, s0  }
0xb2: {  	[sflag:s0] =	ssyncadd.tile.s32 @!p0 $0x1;
	_ =	shalt  }
.Lfunc_end2:
_tile_overlayer_lowered:
.L_overlay_start_2:
0xb3: {  	(tag) =	ssettag $0x2  }
0xb4: {  	s0 =	rddreg [dreg:$0x0];
	s2 =	stileid.u32  }
0xb5: {  	s1 =	rddreg [dreg:$0x1];
	p0 =	sne.s32 s2, $0x0  }
0xb6: {  	s3 =	rddreg [dreg:$0x2];
	[bflag:$0x3] =	sbarrier.arrive $0xFFFF;
	s2 =	simm.s32 @!p0 $0x1C03  }
0xb7: {  	[timem:s3], [sflag:s2] =	dma.local @!p0 [hbm:s0], s1  }
0xb8: {  	s0 =	simm.s32 @!p0 $0x3  }
0xb9: {  	_ =	swait.ge @!p0 [sflag:s0], s1  }
0xba: {  	s1 =	ssub.s32 @!p0 $0x0, s1;
	[sflag:s0] =	ssyncset.done @!p0 $0x0  }
0xbb: {  	[sflag:s0] =	ssyncadd.s32 @!p0 s1  }
0xbc: {  	[bflag:$0x3] =	sbarrier.arrive $0xFFFF  }
0xbd: {  	_ =	shalt  }

</sc_bundles>
